<compile_context>
chip_gen: v7x
topology: tpu7x:2x2x1
jax: 0.10.2.dev20260603
libtpu: 0.0.44.dev20260713+nightly
codegen_flags: <defaults>
</compile_context>

<pallas_src>
import jax
import jax.numpy as jnp
from jax import lax
from jax.experimental import pallas as pl
from jax.experimental.pallas import tpu as pltpu
from jax.experimental.pallas import tpu_sc as plsc

NMS_THR = 0.5
EPS = 1e-06
_N = 5000
_G = 100
_L = 16
_NP = 5120
_NT = 16
_CPT = _NP // _L // _NT
_NEG = -1e30
_LN2 = 0.6931471805599453


def _log16(x):
    b = lax.bitcast_convert_type(x, jnp.int32)
    e = lax.shift_right_logical(b, 23) - 127
    mb = lax.bitwise_or(lax.bitwise_and(b, 0x007FFFFF), 0x3F800000)
    m = lax.bitcast_convert_type(mb, jnp.float32)
    z = (m - 1.0) / (m + 1.0)
    zz = z * z
    lm = z * (2.0 + zz * (2.0 / 3.0 + zz * (2.0 / 5.0 + zz * (2.0 / 7.0))))
    return e.astype(jnp.float32) * _LN2 + lm


def _sc_body(px1, py1, px2, py2, ps, pg, hx1, hy1, hx2, hy2, out,
             vx1, vy1, vx2, vy2, vs, vg, valive, varea,
             vb1, vb2, vb3, vb4, vgt1, vgt2, vgt3, vgt4, vrec,
             vpart, vbuf, vout, shared, sem):
    i32 = jnp.int32
    f32 = jnp.float32
    ci = lax.axis_index("c")
    si = lax.axis_index("s")

    @pl.when(ci == 0)
    def _():
        pltpu.sync_copy(px1, vx1)
        pltpu.sync_copy(py1, vy1)
        pltpu.sync_copy(px2, vx2)
        pltpu.sync_copy(py2, vy2)
        pltpu.sync_copy(ps, vs)
        pltpu.sync_copy(pg, vg)
        pltpu.sync_copy(hx1, vgt1)
        pltpu.sync_copy(hy1, vgt2)
        pltpu.sync_copy(hx2, vgt3)
        pltpu.sync_copy(hy2, vgt4)

        lane = lax.iota(i32, _L)
        base = si * _CPT

        def f16(x):
            return jnp.full((_L,), x, f32)

        def i16(x):
            return jnp.full((_L,), x, i32)

        def init_rec(k, _):
            vrec[pl.ds(k * _L, _L)] = i16(-1)
            return 0

        lax.fori_loop(0, 128 // _L, init_rec, 0)

        def pre(jj, carry):
            mval, midx = carry
            j = base + jj
            sl = pl.ds(j * _L, _L)
            flat = j * _L + lane
            x1c = vx1[sl]
            y1c = vy1[sl]
            x2c = vx2[sl]
            y2c = vy2[sl]
            sc = vs[sl]
            gc = vg[sl]
            varea[sl] = (x2c - x1c + 1.0) * (y2c - y1c + 1.0)
            gidx = jnp.maximum(gc, 0)
            vb1[sl] = plsc.load_gather(vgt1, [gidx])
            vb2[sl] = plsc.load_gather(vgt2, [gidx])
            vb3[sl] = plsc.load_gather(vgt3, [gidx])
            vb4[sl] = plsc.load_gather(vgt4, [gidx])
            al = gc >= 0
            valive[sl] = al.astype(i32)
            msd = jnp.where(al, sc, _NEG)
            upd = msd >= mval
            return (jnp.where(upd, msd, mval), jnp.where(upd, flat, midx))

        mval, midx = plsc.parallel_loop(
            0, _CPT, 1, unroll=2, carry=(f16(_NEG), i16(-1)))(pre)

        def publish(p, mv, midx_, remf, cn2f, pushf):
            vec = jnp.where(lane == 0, f16(mv),
                  jnp.where(lane == 1, f16(midx_.astype(f32)),
                  jnp.where(lane == 2, f16(remf),
                  jnp.where(lane == 3, f16(cn2f), f16(pushf)))))
            vpart[...] = vec
            return pltpu.async_copy(
                vpart, shared.at[pl.ds(p * _NT * _L + si * _L, _L)], sem)

        def reduce_partials(p):
            plsc.subcore_barrier()
            pltpu.sync_copy(shared.at[pl.ds(p * _NT * _L, _NT * _L)], vbuf)
            g0 = lane * _L
            mvv = plsc.load_gather(vbuf, [g0])
            idv = plsc.load_gather(vbuf, [g0 + 1]).astype(i32)
            rmv = plsc.load_gather(vbuf, [g0 + 2])
            cnv = plsc.load_gather(vbuf, [g0 + 3])
            psv = plsc.load_gather(vbuf, [g0 + 4])
            m = jnp.max(mvv)
            iw = jnp.maximum(jnp.max(jnp.where(mvv == m, idv, -1)), 0)
            return m, iw, jnp.sum(rmv), jnp.sum(cnv), jnp.sum(psv)

        tmv = jnp.max(mval)
        tix = jnp.max(jnp.where(mval == tmv, midx, -1))
        publish(0, tmv, tix, 0.0, 0.0, 0.0).wait()
        m0, i0, _, _, _ = reduce_partials(0)
        found0 = m0 > 0.5 * _NEG

        def winner(i):
            iv = i16(i)
            return (plsc.load_gather(vx1, [iv]), plsc.load_gather(vy1, [iv]),
                    plsc.load_gather(vx2, [iv]), plsc.load_gather(vy2, [iv]),
                    plsc.load_gather(vs, [iv]), plsc.load_gather(vg, [iv]))

        w0 = winner(i0)

        def cond(st):
            return st[0]

        def body(st):
            (_, p, i, wx1, wy1, wx2, wy2, ws, wg,
             tot_pull, tot_push, pull_cnt, push_cnt) = st
            area_i = (wx2 - wx1 + 1.0) * (wy2 - wy1 + 1.0)

            ga1 = plsc.load_gather(vgt1, [wg])
            ga2 = plsc.load_gather(vgt2, [wg])
            ga3 = plsc.load_gather(vgt3, [wg])
            ga4 = plsc.load_gather(vgt4, [wg])
            ga_area = (ga3 - ga1 + 1.0) * (ga4 - ga2 + 1.0)

            def chunk(jj, c):
                rem, cn2, pacc, nmv, nmi = c
                j = base + jj
                sl = pl.ds(j * _L, _L)
                flat = j * _L + lane
                x1c = vx1[sl]
                y1c = vy1[sl]
                x2c = vx2[sl]
                y2c = vy2[sl]
                sc = vs[sl]
                gc = vg[sl]
                arc = varea[sl]
                alc = valive[sl] > 0
                alive2 = alc & (flat != i)
                rem = rem + jnp.where(alive2, 1.0, 0.0)
                w = jnp.maximum(jnp.minimum(wx2, x2c) - jnp.maximum(wx1, x1c) + 1.0, 0.0)
                h = jnp.maximum(jnp.minimum(wy2, y2c) - jnp.maximum(wy1, y1c) + 1.0, 0.0)
                ovl = w * h
                row = ovl / (area_i + arc - ovl)
                gb1 = vb1[sl]
                gb2 = vb2[sl]
                gb3 = vb3[sl]
                gb4 = vb4[sl]
                garea_c = (gb3 - gb1 + 1.0) * (gb4 - gb2 + 1.0)
                gw = jnp.maximum(jnp.minimum(ga3, gb3) - jnp.maximum(ga1, gb1) + 1.0, 0.0)
                gh = jnp.maximum(jnp.minimum(ga4, gb4) - jnp.maximum(ga2, gb2) + 1.0, 0.0)
                govl = gw * gh
                giou = govl / (ga_area + garea_c - govl)
                ovm = alive2 & (row > NMS_THR)
                pm2 = ovm & (gc != wg) & (row > giou)
                cn2 = cn2 + jnp.where(pm2, 1.0, 0.0)
                plv = -_log16(1.0 + NMS_THR - row) * sc
                pacc = pacc + jnp.where(pm2, plv, 0.0)
                alnew = alive2 & (row <= NMS_THR)
                valive[sl] = alnew.astype(i32)
                msd = jnp.where(alnew, sc, _NEG)
                upd = msd >= nmv
                return (rem, cn2, pacc,
                        jnp.where(upd, msd, nmv), jnp.where(upd, flat, nmi))

            rem16, cn216, pacc16, nmv, nmi = plsc.parallel_loop(
                0, _CPT, 1, unroll=2,
                carry=(f16(0.0), f16(0.0), f16(0.0), f16(_NEG), i16(-1)),
            )(chunk)

            tmv2 = jnp.max(nmv)
            tix2 = jnp.max(jnp.where(nmv == tmv2, nmi, -1))
            desc = publish(p, tmv2, tix2, jnp.sum(rem16), jnp.sum(cn216),
                           jnp.sum(pacc16))

            rep = plsc.load_gather(vrec, [wg])
            has = rep >= 0
            rr = jnp.maximum(rep, 0)
            bx1 = plsc.load_gather(vx1, [rr])
            by1 = plsc.load_gather(vy1, [rr])
            bx2 = plsc.load_gather(vx2, [rr])
            by2 = plsc.load_gather(vy2, [rr])
            rarea = (bx2 - bx1 + 1.0) * (by2 - by1 + 1.0)
            wv = jnp.maximum(jnp.minimum(wx2, bx2) - jnp.maximum(wx1, bx1) + 1.0, 0.0)
            hv = jnp.maximum(jnp.minimum(wy2, by2) - jnp.maximum(wy1, by1) + 1.0, 0.0)
            ovl0 = wv * hv
            iou_ir = ovl0 / (area_i + rarea - ovl0)
            ms = jnp.maximum(iou_ir, EPS)
            lp = _log16(ms)
            pull = jnp.where(has, -lp * ws, 0.0)
            plsc.store_scatter(vrec, [wg], i16(i), mask=(lane == 0) & (rep < 0))

            desc.wait()
            m, inext, remaining, cnt2, push_sum = reduce_partials(p)

            push = jnp.where(f16(cnt2) > 0, f16(push_sum) / f16(cnt2), 0.0)
            cont = remaining > 0
            tot_pull = tot_pull + jnp.where(cont, pull, 0.0)
            tot_push = tot_push + jnp.where(cont, push, 0.0)
            pull_cnt = pull_cnt + jnp.where(has, 1.0, 0.0)
            push_cnt = push_cnt + jnp.where(cont, f16(cnt2), f16(0.0))

            found = m > 0.5 * _NEG
            wn = winner(inext)
            return (found, 1 - p, inext) + wn + (tot_pull, tot_push,
                                                 pull_cnt, push_cnt)

        init = (found0, jnp.int32(1), i0) + w0 + (f16(0.0), f16(0.0),
                                                  f16(0.0), f16(0.0))
        st = lax.while_loop(cond, body, init)
        tot_pull, tot_push, pull_cnt, push_cnt = st[9], st[10], st[11], st[12]
        push_loss = tot_push / (push_cnt + EPS)
        pull_loss = tot_pull / (pull_cnt + EPS)

        @pl.when(si == 0)
        def _():
            vout[...] = jnp.where(lane == 0, push_loss,
                                  jnp.where(lane == 1, pull_loss, f16(0.0)))
            pltpu.sync_copy(vout, out)


@jax.jit
def _run_sc(g0, gt, props):
    f32 = jnp.float32
    i32 = jnp.int32
    pad = _NP - _N
    p = jnp.pad(props, ((0, pad), (0, 0)))
    g = jnp.pad(g0.astype(i32), (0, pad), constant_values=-1)
    gtp = jnp.pad(gt, ((0, 128 - _G), (0, 0)))

    mesh = plsc.VectorSubcoreMesh(core_axis_name="c", subcore_axis_name="s",
                                  num_cores=2, num_subcores=16)
    fn = pl.kernel(
        _sc_body,
        out_type=jax.ShapeDtypeStruct((_L,), f32),
        mesh=mesh,
        compiler_params=pltpu.CompilerParams(needs_layout_passes=False),
        scratch_types=[
            pltpu.VMEM((_NP,), f32), pltpu.VMEM((_NP,), f32),
            pltpu.VMEM((_NP,), f32), pltpu.VMEM((_NP,), f32),
            pltpu.VMEM((_NP,), f32), pltpu.VMEM((_NP,), i32),
            pltpu.VMEM((_NP,), i32), pltpu.VMEM((_NP,), f32),
            pltpu.VMEM((_NP,), f32), pltpu.VMEM((_NP,), f32),
            pltpu.VMEM((_NP,), f32), pltpu.VMEM((_NP,), f32),
            pltpu.VMEM((128,), f32), pltpu.VMEM((128,), f32),
            pltpu.VMEM((128,), f32), pltpu.VMEM((128,), f32),
            pltpu.VMEM((128,), i32),
            pltpu.VMEM((_L,), f32), pltpu.VMEM((_NT * _L,), f32),
            pltpu.VMEM((_L,), f32),
            pltpu.VMEM_SHARED((2 * _NT * _L,), f32),
            pltpu.SemaphoreType.DMA,
        ],
    )
    out = fn(p[:, 0], p[:, 1], p[:, 2], p[:, 3], p[:, 4], g,
             gtp[:, 0], gtp[:, 1], gtp[:, 2], gtp[:, 3])
    return out[0], out[1]


def kernel(gt_inds, anchor_gt_inds, gt_bboxes, proposal_list):
    g0 = anchor_gt_inds[0]
    gt = gt_bboxes[0].astype(jnp.float32)
    props = proposal_list[0].astype(jnp.float32)
    push, pull = _run_sc(g0, gt, props)
    return (push, pull)

# --- scband reference (transcript-rebuilt; emitter-appended) ---
"""Pipeline reference for scband-nmsloss-50371376447674 (READ-ONLY COPY).

The authoritative reference and input builder live on the scoring server;
editing this copy changes nothing except your own understanding.
"""

import jax, jax.numpy as jnp
import numpy as np
from jax import lax

NMS_THR = 0.5
EPS = 1e-06
N = 5000
G = 100

def bbox_overlaps_np(b1, b2):
    lt = np.maximum(b1[:, None, :2], b2[None, :, :2])
    rb = np.minimum(b1[:, None, 2:], b2[None, :, 2:])
    wh = np.clip(rb - lt + 1.0, 0.0, None)
    overlap = wh[..., 0] * wh[..., 1]
    area1 = (b1[:, 2] - b1[:, 0] + 1.0) * (b1[:, 3] - b1[:, 1] + 1.0)
    area2 = (b2[:, 2] - b2[:, 0] + 1.0) * (b2[:, 3] - b2[:, 1] + 1.0)
    return overlap / (area1[:, None] + area2[None, :] - overlap)

def bbox_overlaps_jnp(b1, b2):
    lt = jnp.maximum(b1[:, None, :2], b2[None, :, :2])
    rb = jnp.minimum(b1[:, None, 2:], b2[None, :, 2:])
    wh = jnp.clip(rb - lt + 1.0, 0.0)
    overlap = wh[..., 0] * wh[..., 1]
    area1 = (b1[:, 2] - b1[:, 0] + 1.0) * (b1[:, 3] - b1[:, 1] + 1.0)
    area2 = (b2[:, 2] - b2[:, 0] + 1.0) * (b2[:, 3] - b2[:, 1] + 1.0)
    return overlap / (area1[:, None] + area2[None, :] - overlap)

def setup_inputs(seed: int = 0):
    key = jax.random.key(seed)
    ks = jax.random.split(key, 8)
    cx = jax.random.uniform(ks[0], (G,)) * 1200.0 + 60.0
    cy = jax.random.uniform(ks[1], (G,)) * 700.0 + 50.0
    w = jax.random.uniform(ks[2], (G,)) * 192.0 + 64.0
    h = jax.random.uniform(ks[3], (G,)) * 192.0 + 64.0
    gt = jnp.stack([cx - w / 2, cy - h / 2, cx + w / 2, cy + h / 2], axis=1).astype(jnp.float32)
    anchor_gt_inds = jax.random.randint(ks[4], (N,), -1, G).astype(jnp.int32)
    assign = jnp.clip(anchor_gt_inds, 0, G - 1)
    base = gt[assign]
    bw = base[:, 2] - base[:, 0]
    bh = base[:, 3] - base[:, 1]
    noise = jax.random.normal(ks[5], (N, 4)) * 0.05
    boxes = base + noise * jnp.stack([bw, bh, bw, bh], axis=1)
    scores = jax.random.uniform(ks[6], (N, 1))
    proposals = jnp.concatenate([boxes, scores], axis=1).astype(jnp.float32)
    return {"gt_inds": anchor_gt_inds[None, :], "anchor_gt_inds": anchor_gt_inds[None, :], "gt_bboxes": gt[None, :, :], "proposal_list": proposals[None, :, :]}

def reference(gt_inds, anchor_gt_inds, gt_bboxes, proposal_list):
    # Faithful eager replication of NMSLoss.forward -> nms_loss -> single_nms_loss
    # with the module's default flags: use_score=True, add_gt=False, pull_relax=False,
    # push_relax=True, push_select=True, fix_*=False, pull/push_weight=1, nms_thr=0.5.
    push_total = jnp.float32(0.0)
    pull_total = jnp.float32(0.0)
    img_num = proposal_list.shape[0]
    n = proposal_list.shape[1]
    for b in range(img_num):
        g = anchor_gt_inds[b]
        gt_box = gt_bboxes[b].astype(jnp.float32)
        props = proposal_list[b].astype(jnp.float32)
        scores = props[:, 4]
        iou = bbox_overlaps_jnp(props[:, :4], props[:, :4])
        gt_iou = bbox_overlaps_jnp(gt_box, gt_box)
        pos = g >= 0
        num_g = gt_box.shape[0]

        def body(t, state):
            alive, rec_map, pull_cnt, push_cnt, tot_pull, tot_push = state
            do = jnp.any(alive)
            ms_scores = jnp.where(alive, scores, -jnp.inf)
            i = (n - 1) - jnp.argmax(ms_scores[::-1])
            gi = g[i]
            alive2 = alive.at[i].set(False)
            remaining = jnp.sum(alive2)
            rep = rec_map[gi]
            has = rep >= 0
            ms = jnp.maximum(iou[i, rep], EPS)
            pull = jnp.where(has, -jnp.log(ms) * scores[i], 0.0)
            rec_map2 = jnp.where(has, rec_map, rec_map.at[gi].set(i.astype(jnp.int32)))
            row = iou[i]
            ov = alive2 & (row > NMS_THR)
            pm2 = ov & (g != gi) & (row > gt_iou[gi, g])
            cnt2 = jnp.sum(pm2)
            pl = -jnp.log(1.0 + NMS_THR - row) * scores
            push = jnp.where(cnt2 > 0, jnp.sum(jnp.where(pm2, pl, 0.0)) / cnt2, 0.0)
            cont = do & (remaining > 0)
            pull_cnt = pull_cnt + jnp.where(do & has, 1, 0)
            rec_map = jnp.where(do, rec_map2, rec_map)
            tot_pull = tot_pull + jnp.where(cont, pull, 0.0)
            tot_push = tot_push + jnp.where(cont, push, 0.0)
            push_cnt = push_cnt + jnp.where(cont, cnt2, 0)
            alive = jnp.where(do, alive2 & ~ov, alive)
            return (alive, rec_map, pull_cnt, push_cnt, tot_pull, tot_push)

        init = (pos,
                jnp.full((num_g,), -1, dtype=jnp.int32),
                jnp.int32(0),
                jnp.int32(0),
                jnp.float32(0.0),
                jnp.float32(0.0))
        _, _, pull_cnt, push_cnt, tot_pull, tot_push = lax.fori_loop(0, n, body, init)
        pull_total = pull_total + tot_pull / (pull_cnt + EPS)
        push_total = push_total + tot_push / (push_cnt + EPS)
    push_loss = jnp.asarray(push_total / img_num, dtype=jnp.float32)
    pull_loss = jnp.asarray(pull_total / img_num, dtype=jnp.float32)
    return (push_loss, pull_loss)

if __name__ == "__main__":
    import jax
    _d = setup_inputs()
    print(jax.jit(kernel)(*tuple(_d.values())))

</pallas_src>

<mosaic_0001>
#map = affine_map<(d0, d1) -> (0)>
module attributes {stable_mosaic.version = 14 : i64} {
  func.func @_sc_body(%arg0: i32, %arg1: i32, %arg2: memref<5120xf32, #tpu.memory_space<hbm>>, %arg3: memref<5120xf32, #tpu.memory_space<hbm>>, %arg4: memref<5120xf32, #tpu.memory_space<hbm>>, %arg5: memref<5120xf32, #tpu.memory_space<hbm>>, %arg6: memref<5120xf32, #tpu.memory_space<hbm>>, %arg7: memref<5120xi32, #tpu.memory_space<hbm>>, %arg8: memref<128xf32, #tpu.memory_space<hbm>>, %arg9: memref<128xf32, #tpu.memory_space<hbm>>, %arg10: memref<128xf32, #tpu.memory_space<hbm>>, %arg11: memref<128xf32, #tpu.memory_space<hbm>>, %arg12: memref<16xf32, #tpu.memory_space<hbm>>, %arg13: memref<5120xf32, #tpu.memory_space<vmem>>, %arg14: memref<5120xf32, #tpu.memory_space<vmem>>, %arg15: memref<5120xf32, #tpu.memory_space<vmem>>, %arg16: memref<5120xf32, #tpu.memory_space<vmem>>, %arg17: memref<5120xf32, #tpu.memory_space<vmem>>, %arg18: memref<5120xi32, #tpu.memory_space<vmem>>, %arg19: memref<5120xi32, #tpu.memory_space<vmem>>, %arg20: memref<5120xf32, #tpu.memory_space<vmem>>, %arg21: memref<5120xf32, #tpu.memory_space<vmem>>, %arg22: memref<5120xf32, #tpu.memory_space<vmem>>, %arg23: memref<5120xf32, #tpu.memory_space<vmem>>, %arg24: memref<5120xf32, #tpu.memory_space<vmem>>, %arg25: memref<128xf32, #tpu.memory_space<vmem>>, %arg26: memref<128xf32, #tpu.memory_space<vmem>>, %arg27: memref<128xf32, #tpu.memory_space<vmem>>, %arg28: memref<128xf32, #tpu.memory_space<vmem>>, %arg29: memref<128xi32, #tpu.memory_space<vmem>>, %arg30: memref<16xf32, #tpu.memory_space<vmem>>, %arg31: memref<256xf32, #tpu.memory_space<vmem>>, %arg32: memref<16xf32, #tpu.memory_space<vmem>>, %arg33: memref<512xf32, #tpu.memory_space<vmem_shared>>, %arg34: memref<!tpu.dma_semaphore, #tpu.memory_space<semaphore_mem>>) attributes {dimension_semantics = [#tpu.dimension_semantics<core_parallel>, #tpu.dimension_semantics<subcore_parallel>], iteration_bounds = array<i64: 2, 16>, scalar_prefetch = 0 : i64, scratch_operands = 22 : i64, tpu.core_type = #tpu.core_type<sc_vector_subcore>, window_params = [{transform_indices = #map}, {transform_indices = #map}, {transform_indices = #map}, {transform_indices = #map}, {transform_indices = #map}, {transform_indices = #map}, {transform_indices = #map}, {transform_indices = #map}, {transform_indices = #map}, {transform_indices = #map}, {transform_indices = #map}]} {
    %eq3A = arith.constant 0 : i32
    %eq3A_0 = arith.cmpi eq, %arg0, %eq3A : i32
    %convert_element_type3A = arith.extui %eq3A_0 : i1 to i32
    %cond3A = arith.constant 0 : i32
    %cond3A_1 = arith.cmpi ne, %convert_element_type3A, %cond3A : i32
    scf.if %cond3A_1 {
      "tpu.region"() ({
        %run_scoped3A = tpu.sem_alloc : memref<!tpu.dma_semaphore, #tpu.memory_space<semaphore_mem>>
        tpu.enqueue_dma source(%arg2 : memref<5120xf32, #tpu.memory_space<hbm>>) target(%arg13 : memref<5120xf32, #tpu.memory_space<vmem>>) target_semaphore(%run_scoped3A : memref<!tpu.dma_semaphore, #tpu.memory_space<semaphore_mem>>)
        tpu.wait_dma2 semaphore(%run_scoped3A : memref<!tpu.dma_semaphore, #tpu.memory_space<semaphore_mem>>) src(%arg2 : memref<5120xf32, #tpu.memory_space<hbm>>) dst(%arg13 : memref<5120xf32, #tpu.memory_space<vmem>>)
        tpu.yield
      }) : () -> ()
      "tpu.region"() ({
        %run_scoped3A = tpu.sem_alloc : memref<!tpu.dma_semaphore, #tpu.memory_space<semaphore_mem>>
        tpu.enqueue_dma source(%arg3 : memref<5120xf32, #tpu.memory_space<hbm>>) target(%arg14 : memref<5120xf32, #tpu.memory_space<vmem>>) target_semaphore(%run_scoped3A : memref<!tpu.dma_semaphore, #tpu.memory_space<semaphore_mem>>)
        tpu.wait_dma2 semaphore(%run_scoped3A : memref<!tpu.dma_semaphore, #tpu.memory_space<semaphore_mem>>) src(%arg3 : memref<5120xf32, #tpu.memory_space<hbm>>) dst(%arg14 : memref<5120xf32, #tpu.memory_space<vmem>>)
        tpu.yield
      }) : () -> ()
      "tpu.region"() ({
        %run_scoped3A = tpu.sem_alloc : memref<!tpu.dma_semaphore, #tpu.memory_space<semaphore_mem>>
        tpu.enqueue_dma source(%arg4 : memref<5120xf32, #tpu.memory_space<hbm>>) target(%arg15 : memref<5120xf32, #tpu.memory_space<vmem>>) target_semaphore(%run_scoped3A : memref<!tpu.dma_semaphore, #tpu.memory_space<semaphore_mem>>)
        tpu.wait_dma2 semaphore(%run_scoped3A : memref<!tpu.dma_semaphore, #tpu.memory_space<semaphore_mem>>) src(%arg4 : memref<5120xf32, #tpu.memory_space<hbm>>) dst(%arg15 : memref<5120xf32, #tpu.memory_space<vmem>>)
        tpu.yield
      }) : () -> ()
      "tpu.region"() ({
        %run_scoped3A = tpu.sem_alloc : memref<!tpu.dma_semaphore, #tpu.memory_space<semaphore_mem>>
        tpu.enqueue_dma source(%arg5 : memref<5120xf32, #tpu.memory_space<hbm>>) target(%arg16 : memref<5120xf32, #tpu.memory_space<vmem>>) target_semaphore(%run_scoped3A : memref<!tpu.dma_semaphore, #tpu.memory_space<semaphore_mem>>)
        tpu.wait_dma2 semaphore(%run_scoped3A : memref<!tpu.dma_semaphore, #tpu.memory_space<semaphore_mem>>) src(%arg5 : memref<5120xf32, #tpu.memory_space<hbm>>) dst(%arg16 : memref<5120xf32, #tpu.memory_space<vmem>>)
        tpu.yield
      }) : () -> ()
      "tpu.region"() ({
        %run_scoped3A = tpu.sem_alloc : memref<!tpu.dma_semaphore, #tpu.memory_space<semaphore_mem>>
        tpu.enqueue_dma source(%arg6 : memref<5120xf32, #tpu.memory_space<hbm>>) target(%arg17 : memref<5120xf32, #tpu.memory_space<vmem>>) target_semaphore(%run_scoped3A : memref<!tpu.dma_semaphore, #tpu.memory_space<semaphore_mem>>)
        tpu.wait_dma2 semaphore(%run_scoped3A : memref<!tpu.dma_semaphore, #tpu.memory_space<semaphore_mem>>) src(%arg6 : memref<5120xf32, #tpu.memory_space<hbm>>) dst(%arg17 : memref<5120xf32, #tpu.memory_space<vmem>>)
        tpu.yield
      }) : () -> ()
      "tpu.region"() ({
        %run_scoped3A = tpu.sem_alloc : memref<!tpu.dma_semaphore, #tpu.memory_space<semaphore_mem>>
        tpu.enqueue_dma source(%arg7 : memref<5120xi32, #tpu.memory_space<hbm>>) target(%arg18 : memref<5120xi32, #tpu.memory_space<vmem>>) target_semaphore(%run_scoped3A : memref<!tpu.dma_semaphore, #tpu.memory_space<semaphore_mem>>)
        tpu.wait_dma2 semaphore(%run_scoped3A : memref<!tpu.dma_semaphore, #tpu.memory_space<semaphore_mem>>) src(%arg7 : memref<5120xi32, #tpu.memory_space<hbm>>) dst(%arg18 : memref<5120xi32, #tpu.memory_space<vmem>>)
        tpu.yield
      }) : () -> ()
      "tpu.region"() ({
        %run_scoped3A = tpu.sem_alloc : memref<!tpu.dma_semaphore, #tpu.memory_space<semaphore_mem>>
        tpu.enqueue_dma source(%arg8 : memref<128xf32, #tpu.memory_space<hbm>>) target(%arg25 : memref<128xf32, #tpu.memory_space<vmem>>) target_semaphore(%run_scoped3A : memref<!tpu.dma_semaphore, #tpu.memory_space<semaphore_mem>>)
        tpu.wait_dma2 semaphore(%run_scoped3A : memref<!tpu.dma_semaphore, #tpu.memory_space<semaphore_mem>>) src(%arg8 : memref<128xf32, #tpu.memory_space<hbm>>) dst(%arg25 : memref<128xf32, #tpu.memory_space<vmem>>)
        tpu.yield
      }) : () -> ()
      "tpu.region"() ({
        %run_scoped3A = tpu.sem_alloc : memref<!tpu.dma_semaphore, #tpu.memory_space<semaphore_mem>>
        tpu.enqueue_dma source(%arg9 : memref<128xf32, #tpu.memory_space<hbm>>) target(%arg26 : memref<128xf32, #tpu.memory_space<vmem>>) target_semaphore(%run_scoped3A : memref<!tpu.dma_semaphore, #tpu.memory_space<semaphore_mem>>)
        tpu.wait_dma2 semaphore(%run_scoped3A : memref<!tpu.dma_semaphore, #tpu.memory_space<semaphore_mem>>) src(%arg9 : memref<128xf32, #tpu.memory_space<hbm>>) dst(%arg26 : memref<128xf32, #tpu.memory_space<vmem>>)
        tpu.yield
      }) : () -> ()
      "tpu.region"() ({
        %run_scoped3A = tpu.sem_alloc : memref<!tpu.dma_semaphore, #tpu.memory_space<semaphore_mem>>
        tpu.enqueue_dma source(%arg10 : memref<128xf32, #tpu.memory_space<hbm>>) target(%arg27 : memref<128xf32, #tpu.memory_space<vmem>>) target_semaphore(%run_scoped3A : memref<!tpu.dma_semaphore, #tpu.memory_space<semaphore_mem>>)
        tpu.wait_dma2 semaphore(%run_scoped3A : memref<!tpu.dma_semaphore, #tpu.memory_space<semaphore_mem>>) src(%arg10 : memref<128xf32, #tpu.memory_space<hbm>>) dst(%arg27 : memref<128xf32, #tpu.memory_space<vmem>>)
        tpu.yield
      }) : () -> ()
      "tpu.region"() ({
        %run_scoped3A = tpu.sem_alloc : memref<!tpu.dma_semaphore, #tpu.memory_space<semaphore_mem>>
        tpu.enqueue_dma source(%arg11 : memref<128xf32, #tpu.memory_space<hbm>>) target(%arg28 : memref<128xf32, #tpu.memory_space<vmem>>) target_semaphore(%run_scoped3A : memref<!tpu.dma_semaphore, #tpu.memory_space<semaphore_mem>>)
        tpu.wait_dma2 semaphore(%run_scoped3A : memref<!tpu.dma_semaphore, #tpu.memory_space<semaphore_mem>>) src(%arg11 : memref<128xf32, #tpu.memory_space<hbm>>) dst(%arg28 : memref<128xf32, #tpu.memory_space<vmem>>)
        tpu.yield
      }) : () -> ()
      %iota3A = tpu.iota {dimensions = array<i32: 0>} : vector<16xi32>
      %mul3A = arith.constant 20 : i32
      %mul3A_2 = arith.muli %arg1, %mul3A : i32
      %scan3A = arith.constant 0 : i32
      %scan3A_3 = arith.constant 0 : i32
      %scan3A_4 = arith.constant 8 : i32
      %scan3A_5 = arith.addi %scan3A_3, %scan3A_4 : i32
      %scan3A_6 = arith.constant 1 : i32
      %scan3A_7 = scf.for %scan3A_138 = %scan3A_3 to %scan3A_5 step %scan3A_6 iter_args(%scan3A_139 = %scan3A) -> (i32)  : i32 {
        %broadcast_in_dim3A_140 = arith.constant -1 : i32
        %broadcast_in_dim3A_141 = vector.broadcast %broadcast_in_dim3A_140 : i32 to vector<16xi32>
        %mul3A_142 = arith.constant 16 : i32
        %mul3A_143 = arith.muli %scan3A_138, %mul3A_142 : i32
        %swap3A_144 = arith.index_cast %mul3A_143 : i32 to index
        %swap3A_145 = tpu.vector_load %arg29[%swap3A_144] {strides = array<i32>} : memref<128xi32, #tpu.memory_space<vmem>>, vector<16xi32>,
        tpu.vector_store %arg29[%swap3A_144], %broadcast_in_dim3A_141 {strides = array<i32>} : memref<128xi32, #tpu.memory_space<vmem>>, vector<16xi32>,
        %scan3A_146 = arith.constant 0 : i32
        scf.yield %scan3A_146 : i32
      }
      %scan3A_8 = arith.constant 8 : i32
      %broadcast_in_dim3A = arith.constant -1.000000e+30 : f32
      %broadcast_in_dim3A_9 = vector.broadcast %broadcast_in_dim3A : f32 to vector<16xf32>
      %broadcast_in_dim3A_10 = arith.constant -1 : i32
      %broadcast_in_dim3A_11 = vector.broadcast %broadcast_in_dim3A_10 : i32 to vector<16xi32>
      %parallel_loop3A = arith.constant 0 : i32
      %parallel_loop3A_12 = arith.constant 20 : i32
      %parallel_loop3A_13 = arith.constant 1 : i32
      %parallel_loop3A_14:2 = scf.for %parallel_loop3A_138 = %parallel_loop3A to %parallel_loop3A_12 step %parallel_loop3A_13 iter_args(%parallel_loop3A_139 = %broadcast_in_dim3A_9, %parallel_loop3A_140 = %broadcast_in_dim3A_11) -> (vector<16xf32>, vector<16xi32>)  : i32 {
        %parallel_loop3A_141 = arith.addi %mul3A_2, %parallel_loop3A_138 : i32
        %parallel_loop3A_142 = arith.constant 16 : i32
        %parallel_loop3A_143 = arith.muli %parallel_loop3A_141, %parallel_loop3A_142 : i32
        %parallel_loop3A_144 = arith.constant 16 : i32
        %parallel_loop3A_145 = arith.muli %parallel_loop3A_141, %parallel_loop3A_144 : i32
        %parallel_loop3A_146 = vector.broadcast %parallel_loop3A_145 : i32 to vector<16xi32>
        %parallel_loop3A_147 = arith.addi %parallel_loop3A_146, %iota3A : vector<16xi32>
        %parallel_loop3A_148 = arith.index_cast %parallel_loop3A_143 : i32 to index
        %parallel_loop3A_149 = tpu.vector_load %arg13[%parallel_loop3A_148] {strides = array<i32>} : memref<5120xf32, #tpu.memory_space<vmem>>, vector<16xf32>,
        %parallel_loop3A_150 = arith.index_cast %parallel_loop3A_143 : i32 to index
        %parallel_loop3A_151 = tpu.vector_load %arg14[%parallel_loop3A_150] {strides = array<i32>} : memref<5120xf32, #tpu.memory_space<vmem>>, vector<16xf32>,
        %parallel_loop3A_152 = arith.index_cast %parallel_loop3A_143 : i32 to index
        %parallel_loop3A_153 = tpu.vector_load %arg15[%parallel_loop3A_152] {strides = array<i32>} : memref<5120xf32, #tpu.memory_space<vmem>>, vector<16xf32>,
        %parallel_loop3A_154 = arith.index_cast %parallel_loop3A_143 : i32 to index
        %parallel_loop3A_155 = tpu.vector_load %arg16[%parallel_loop3A_154] {strides = array<i32>} : memref<5120xf32, #tpu.memory_space<vmem>>, vector<16xf32>,
        %parallel_loop3A_156 = arith.index_cast %parallel_loop3A_143 : i32 to index
        %parallel_loop3A_157 = tpu.vector_load %arg17[%parallel_loop3A_156] {strides = array<i32>} : memref<5120xf32, #tpu.memory_space<vmem>>, vector<16xf32>,
        %parallel_loop3A_158 = arith.index_cast %parallel_loop3A_143 : i32 to index
        %parallel_loop3A_159 = tpu.vector_load %arg18[%parallel_loop3A_158] {strides = array<i32>} : memref<5120xi32, #tpu.memory_space<vmem>>, vector<16xi32>,
        %parallel_loop3A_160 = arith.subf %parallel_loop3A_153, %parallel_loop3A_149 : vector<16xf32>
        %parallel_loop3A_161 = arith.constant 1.000000e+00 : f32
        %parallel_loop3A_162 = vector.broadcast %parallel_loop3A_161 : f32 to vector<16xf32>
        %parallel_loop3A_163 = arith.addf %parallel_loop3A_160, %parallel_loop3A_162 : vector<16xf32>
        %parallel_loop3A_164 = arith.subf %parallel_loop3A_155, %parallel_loop3A_151 : vector<16xf32>
        %parallel_loop3A_165 = arith.constant 1.000000e+00 : f32
        %parallel_loop3A_166 = vector.broadcast %parallel_loop3A_165 : f32 to vector<16xf32>
        %parallel_loop3A_167 = arith.addf %parallel_loop3A_164, %parallel_loop3A_166 : vector<16xf32>
        %parallel_loop3A_168 = arith.mulf %parallel_loop3A_163, %parallel_loop3A_167 : vector<16xf32>
        %parallel_loop3A_169 = arith.index_cast %parallel_loop3A_143 : i32 to index
        %parallel_loop3A_170 = tpu.vector_load %arg20[%parallel_loop3A_169] {strides = array<i32>} : memref<5120xf32, #tpu.memory_space<vmem>>, vector<16xf32>,
        tpu.vector_store %arg20[%parallel_loop3A_169], %parallel_loop3A_168 {strides = array<i32>} : memref<5120xf32, #tpu.memory_space<vmem>>, vector<16xf32>,
        %parallel_loop3A_171 = arith.constant 0 : i32
        %parallel_loop3A_172 = vector.broadcast %parallel_loop3A_171 : i32 to vector<16xi32>
        %parallel_loop3A_173 = arith.maxsi %parallel_loop3A_159, %parallel_loop3A_172 : vector<16xi32>
        %parallel_loop3A_174 = tpu.vector_load_idx %arg25[%parallel_loop3A_173] : memref<128xf32, #tpu.memory_space<vmem>>[vector<16xi32>], vector<16xf32>,
        %parallel_loop3A_175 = arith.index_cast %parallel_loop3A_143 : i32 to index
        %parallel_loop3A_176 = tpu.vector_load %arg21[%parallel_loop3A_175] {strides = array<i32>} : memref<5120xf32, #tpu.memory_space<vmem>>, vector<16xf32>,
        tpu.vector_store %arg21[%parallel_loop3A_175], %parallel_loop3A_174 {strides = array<i32>} : memref<5120xf32, #tpu.memory_space<vmem>>, vector<16xf32>,
        %parallel_loop3A_177 = tpu.vector_load_idx %arg26[%parallel_loop3A_173] : memref<128xf32, #tpu.memory_space<vmem>>[vector<16xi32>], vector<16xf32>,
        %parallel_loop3A_178 = arith.index_cast %parallel_loop3A_143 : i32 to index
        %parallel_loop3A_179 = tpu.vector_load %arg22[%parallel_loop3A_178] {strides = array<i32>} : memref<5120xf32, #tpu.memory_space<vmem>>, vector<16xf32>,
        tpu.vector_store %arg22[%parallel_loop3A_178], %parallel_loop3A_177 {strides = array<i32>} : memref<5120xf32, #tpu.memory_space<vmem>>, vector<16xf32>,
        %parallel_loop3A_180 = tpu.vector_load_idx %arg27[%parallel_loop3A_173] : memref<128xf32, #tpu.memory_space<vmem>>[vector<16xi32>], vector<16xf32>,
        %parallel_loop3A_181 = arith.index_cast %parallel_loop3A_143 : i32 to index
        %parallel_loop3A_182 = tpu.vector_load %arg23[%parallel_loop3A_181] {strides = array<i32>} : memref<5120xf32, #tpu.memory_space<vmem>>, vector<16xf32>,
        tpu.vector_store %arg23[%parallel_loop3A_181], %parallel_loop3A_180 {strides = array<i32>} : memref<5120xf32, #tpu.memory_space<vmem>>, vector<16xf32>,
        %parallel_loop3A_183 = tpu.vector_load_idx %arg28[%parallel_loop3A_173] : memref<128xf32, #tpu.memory_space<vmem>>[vector<16xi32>], vector<16xf32>,
        %parallel_loop3A_184 = arith.index_cast %parallel_loop3A_143 : i32 to index
        %parallel_loop3A_185 = tpu.vector_load %arg24[%parallel_loop3A_184] {strides = array<i32>} : memref<5120xf32, #tpu.memory_space<vmem>>, vector<16xf32>,
        tpu.vector_store %arg24[%parallel_loop3A_184], %parallel_loop3A_183 {strides = array<i32>} : memref<5120xf32, #tpu.memory_space<vmem>>, vector<16xf32>,
        %parallel_loop3A_186 = arith.constant 0 : i32
        %parallel_loop3A_187 = vector.broadcast %parallel_loop3A_186 : i32 to vector<16xi32>
        %parallel_loop3A_188 = arith.cmpi sge, %parallel_loop3A_159, %parallel_loop3A_187 : vector<16xi32>
        %parallel_loop3A_189 = arith.extui %parallel_loop3A_188 : vector<16xi1> to vector<16xi32>
        %parallel_loop3A_190 = arith.index_cast %parallel_loop3A_143 : i32 to index
        %parallel_loop3A_191 = tpu.vector_load %arg19[%parallel_loop3A_190] {strides = array<i32>} : memref<5120xi32, #tpu.memory_space<vmem>>, vector<16xi32>,
        tpu.vector_store %arg19[%parallel_loop3A_190], %parallel_loop3A_189 {strides = array<i32>} : memref<5120xi32, #tpu.memory_space<vmem>>, vector<16xi32>,
        %parallel_loop3A_192 = arith.constant -1.000000e+30 : f32
        %parallel_loop3A_193 = vector.broadcast %parallel_loop3A_192 : f32 to vector<16xf32>
        %parallel_loop3A_194 = arith.select %parallel_loop3A_188, %parallel_loop3A_157, %parallel_loop3A_193 : vector<16xi1>, vector<16xf32>
        %parallel_loop3A_195 = arith.cmpf oge, %parallel_loop3A_194, %parallel_loop3A_139 : vector<16xf32>
        %parallel_loop3A_196 = arith.select %parallel_loop3A_195, %parallel_loop3A_194, %parallel_loop3A_139 : vector<16xi1>, vector<16xf32>
        %parallel_loop3A_197 = arith.select %parallel_loop3A_195, %parallel_loop3A_147, %parallel_loop3A_140 : vector<16xi1>, vector<16xi32>
        scf.yield %parallel_loop3A_196, %parallel_loop3A_197 : vector<16xf32>, vector<16xi32>
      } {sc.loop_unroll_factor = 2 : i64, sc.parallel_access}
      %reduce_max3A = arith.constant true
      %reduce_max3A_15 = vector.broadcast %reduce_max3A : i1 to vector<16xi1>
      %reduce_max3A_16 = tpu.scan <max>, %parallel_loop3A_14#0 masked %reduce_max3A_15 : vector<16xf32>, vector<16xi1> -> vector<16xf32>
      %reduce_max3A_17 = vector.extract %reduce_max3A_16[15] : f32 from vector<16xf32>
      %eq3A_18 = vector.broadcast %reduce_max3A_17 : f32 to vector<16xf32>
      %eq3A_19 = arith.cmpf oeq, %parallel_loop3A_14#0, %eq3A_18 : vector<16xf32>
      %jit3A = arith.constant -1 : i32
      %broadcast_in_dim3A_20 = vector.broadcast %jit3A : i32 to vector<16xi32>
      %select_n3A = arith.select %eq3A_19, %parallel_loop3A_14#1, %broadcast_in_dim3A_20 : vector<16xi1>, vector<16xi32>
      %reduce_max3A_21 = arith.constant true
      %reduce_max3A_22 = vector.broadcast %reduce_max3A_21 : i1 to vector<16xi1>
      %reduce_max3A_23 = arith.constant -2147483648 : i32
      %reduce_max3A_24 = vector.broadcast %reduce_max3A_23 : i32 to vector<16xi32>
      %reduce_max3A_25 = arith.xori %select_n3A, %reduce_max3A_24 : vector<16xi32>
      %reduce_max3A_26 = tpu.scan <max>, %reduce_max3A_25 masked %reduce_max3A_22 : vector<16xi32>, vector<16xi1> -> vector<16xi32>
      %reduce_max3A_27 = arith.xori %reduce_max3A_26, %reduce_max3A_24 : vector<16xi32>
      %reduce_max3A_28 = vector.extract %reduce_max3A_27[15] : i32 from vector<16xi32>
      %eq3A_29 = arith.constant 0 : i32
      %eq3A_30 = vector.broadcast %eq3A_29 : i32 to vector<16xi32>
      %eq3A_31 = arith.cmpi eq, %iota3A, %eq3A_30 : vector<16xi32>
      %broadcast_in_dim3A_32 = vector.broadcast %reduce_max3A_17 : f32 to vector<16xf32>
      %eq3A_33 = arith.constant 1 : i32
      %eq3A_34 = vector.broadcast %eq3A_33 : i32 to vector<16xi32>
      %eq3A_35 = arith.cmpi eq, %iota3A, %eq3A_34 : vector<16xi32>
      %convert_element_type3A_36 = arith.sitofp %reduce_max3A_28 : i32 to f32
      %broadcast_in_dim3A_37 = vector.broadcast %convert_element_type3A_36 : f32 to vector<16xf32>
      %eq3A_38 = arith.constant 2 : i32
      %eq3A_39 = vector.broadcast %eq3A_38 : i32 to vector<16xi32>
      %eq3A_40 = arith.cmpi eq, %iota3A, %eq3A_39 : vector<16xi32>
      %broadcast_in_dim3A_41 = arith.constant 0.000000e+00 : f32
      %broadcast_in_dim3A_42 = vector.broadcast %broadcast_in_dim3A_41 : f32 to vector<16xf32>
      %eq3A_43 = arith.constant 3 : i32
      %eq3A_44 = vector.broadcast %eq3A_43 : i32 to vector<16xi32>
      %eq3A_45 = arith.cmpi eq, %iota3A, %eq3A_44 : vector<16xi32>
      %broadcast_in_dim3A_46 = arith.constant 0.000000e+00 : f32
      %broadcast_in_dim3A_47 = vector.broadcast %broadcast_in_dim3A_46 : f32 to vector<16xf32>
      %broadcast_in_dim3A_48 = arith.constant 0.000000e+00 : f32
      %broadcast_in_dim3A_49 = vector.broadcast %broadcast_in_dim3A_48 : f32 to vector<16xf32>
      %select_n3A_50 = arith.select %eq3A_45, %broadcast_in_dim3A_47, %broadcast_in_dim3A_49 : vector<16xi1>, vector<16xf32>
      %select_n3A_51 = arith.select %eq3A_40, %broadcast_in_dim3A_42, %select_n3A_50 : vector<16xi1>, vector<16xf32>
      %select_n3A_52 = arith.select %eq3A_35, %broadcast_in_dim3A_37, %select_n3A_51 : vector<16xi1>, vector<16xf32>
      %select_n3A_53 = arith.select %eq3A_31, %broadcast_in_dim3A_32, %select_n3A_52 : vector<16xi1>, vector<16xf32>
      %swap3A = arith.constant 0 : index
      %swap3A_54 = tpu.vector_load %arg30[%swap3A] {strides = array<i32>} : memref<16xf32, #tpu.memory_space<vmem>>, vector<16xf32>,
      tpu.vector_store %arg30[%swap3A], %select_n3A_53 {strides = array<i32>} : memref<16xf32, #tpu.memory_space<vmem>>, vector<16xf32>,
      %mul3A_55 = arith.constant 16 : i32
      %mul3A_56 = arith.muli %arg1, %mul3A_55 : i32
      %add3A = arith.constant 0 : i32
      %add3A_57 = arith.addi %add3A, %mul3A_56 : i32
      %dma_start3A = tpu.memref_slice %arg33[%add3A_57] : memref<512xf32, #tpu.memory_space<vmem_shared>> -> memref<16xf32, #tpu.memory_space<vmem_shared>>
      %dma_start3A_58 = tpu.memref_slice %arg33[%add3A_57] : memref<512xf32, #tpu.memory_space<vmem_shared>> -> memref<16xf32, #tpu.memory_space<vmem_shared>>
      tpu.enqueue_dma source(%arg30 : memref<16xf32, #tpu.memory_space<vmem>>) target(%dma_start3A_58 : memref<16xf32, #tpu.memory_space<vmem_shared>>) target_semaphore(%arg34 : memref<!tpu.dma_semaphore, #tpu.memory_space<semaphore_mem>>)
      %dma_wait3A = tpu.memref_slice %arg33[%add3A_57] : memref<512xf32, #tpu.memory_space<vmem_shared>> -> memref<16xf32, #tpu.memory_space<vmem_shared>>
      %dma_wait3A_59 = tpu.memref_slice %arg33[%add3A_57] : memref<512xf32, #tpu.memory_space<vmem_shared>> -> memref<16xf32, #tpu.memory_space<vmem_shared>>
      tpu.wait_dma2 semaphore(%arg34 : memref<!tpu.dma_semaphore, #tpu.memory_space<semaphore_mem>>) src(%arg30 : memref<16xf32, #tpu.memory_space<vmem>>) dst(%dma_wait3A_59 : memref<16xf32, #tpu.memory_space<vmem_shared>>)
      %barrier3A = arith.constant 0 : index
      tpu.barrier barrier_id(%barrier3A)
      "tpu.region"() ({
        %run_scoped3A = tpu.sem_alloc : memref<!tpu.dma_semaphore, #tpu.memory_space<semaphore_mem>>
        %dma_start3A_138 = arith.constant 0 : i32
        %dma_start3A_139 = tpu.memref_slice %arg33[%dma_start3A_138] : memref<512xf32, #tpu.memory_space<vmem_shared>> -> memref<256xf32, #tpu.memory_space<vmem_shared>>
        %dma_start3A_140 = arith.constant 0 : i32
        %dma_start3A_141 = tpu.memref_slice %arg33[%dma_start3A_140] : memref<512xf32, #tpu.memory_space<vmem_shared>> -> memref<256xf32, #tpu.memory_space<vmem_shared>>
        tpu.enqueue_dma source(%dma_start3A_141 : memref<256xf32, #tpu.memory_space<vmem_shared>>) target(%arg31 : memref<256xf32, #tpu.memory_space<vmem>>) target_semaphore(%run_scoped3A : memref<!tpu.dma_semaphore, #tpu.memory_space<semaphore_mem>>)
        %dma_wait3A_142 = arith.constant 0 : i32
        %dma_wait3A_143 = tpu.memref_slice %arg33[%dma_wait3A_142] : memref<512xf32, #tpu.memory_space<vmem_shared>> -> memref<256xf32, #tpu.memory_space<vmem_shared>>
        %dma_wait3A_144 = arith.constant 0 : i32
        %dma_wait3A_145 = tpu.memref_slice %arg33[%dma_wait3A_144] : memref<512xf32, #tpu.memory_space<vmem_shared>> -> memref<256xf32, #tpu.memory_space<vmem_shared>>
        tpu.wait_dma2 semaphore(%run_scoped3A : memref<!tpu.dma_semaphore, #tpu.memory_space<semaphore_mem>>) src(%dma_wait3A_145 : memref<256xf32, #tpu.memory_space<vmem_shared>>) dst(%arg31 : memref<256xf32, #tpu.memory_space<vmem>>)
        tpu.yield
      }) : () -> ()
      %mul3A_60 = arith.constant 16 : i32
      %mul3A_61 = vector.broadcast %mul3A_60 : i32 to vector<16xi32>
      %mul3A_62 = arith.muli %iota3A, %mul3A_61 : vector<16xi32>
      %gather3A = tpu.vector_load_idx %arg31[%mul3A_62] : memref<256xf32, #tpu.memory_space<vmem>>[vector<16xi32>], vector<16xf32>,
      %add3A_63 = arith.constant 1 : i32
      %add3A_64 = vector.broadcast %add3A_63 : i32 to vector<16xi32>
      %add3A_65 = arith.addi %mul3A_62, %add3A_64 : vector<16xi32>
      %gather3A_66 = tpu.vector_load_idx %arg31[%add3A_65] : memref<256xf32, #tpu.memory_space<vmem>>[vector<16xi32>], vector<16xf32>,
      %convert_element_type3A_67 = arith.fptosi %gather3A_66 : vector<16xf32> to vector<16xi32>
      %add3A_68 = arith.constant 2 : i32
      %add3A_69 = vector.broadcast %add3A_68 : i32 to vector<16xi32>
      %add3A_70 = arith.addi %mul3A_62, %add3A_69 : vector<16xi32>
      %gather3A_71 = tpu.vector_load_idx %arg31[%add3A_70] : memref<256xf32, #tpu.memory_space<vmem>>[vector<16xi32>], vector<16xf32>,
      %add3A_72 = arith.constant 3 : i32
      %add3A_73 = vector.broadcast %add3A_72 : i32 to vector<16xi32>
      %add3A_74 = arith.addi %mul3A_62, %add3A_73 : vector<16xi32>
      %gather3A_75 = tpu.vector_load_idx %arg31[%add3A_74] : memref<256xf32, #tpu.memory_space<vmem>>[vector<16xi32>], vector<16xf32>,
      %add3A_76 = arith.constant 4 : i32
      %add3A_77 = vector.broadcast %add3A_76 : i32 to vector<16xi32>
      %add3A_78 = arith.addi %mul3A_62, %add3A_77 : vector<16xi32>
      %gather3A_79 = tpu.vector_load_idx %arg31[%add3A_78] : memref<256xf32, #tpu.memory_space<vmem>>[vector<16xi32>], vector<16xf32>,
      %reduce_max3A_80 = arith.constant true
      %reduce_max3A_81 = vector.broadcast %reduce_max3A_80 : i1 to vector<16xi1>
      %reduce_max3A_82 = tpu.scan <max>, %gather3A masked %reduce_max3A_81 : vector<16xf32>, vector<16xi1> -> vector<16xf32>
      %reduce_max3A_83 = vector.extract %reduce_max3A_82[15] : f32 from vector<16xf32>
      %eq3A_84 = vector.broadcast %reduce_max3A_83 : f32 to vector<16xf32>
      %eq3A_85 = arith.cmpf oeq, %gather3A, %eq3A_84 : vector<16xf32>
      %jit3A_86 = arith.constant -1 : i32
      %broadcast_in_dim3A_87 = vector.broadcast %jit3A_86 : i32 to vector<16xi32>
      %select_n3A_88 = arith.select %eq3A_85, %convert_element_type3A_67, %broadcast_in_dim3A_87 : vector<16xi1>, vector<16xi32>
      %reduce_max3A_89 = arith.constant true
      %reduce_max3A_90 = vector.broadcast %reduce_max3A_89 : i1 to vector<16xi1>
      %reduce_max3A_91 = arith.constant -2147483648 : i32
      %reduce_max3A_92 = vector.broadcast %reduce_max3A_91 : i32 to vector<16xi32>
      %reduce_max3A_93 = arith.xori %select_n3A_88, %reduce_max3A_92 : vector<16xi32>
      %reduce_max3A_94 = tpu.scan <max>, %reduce_max3A_93 masked %reduce_max3A_90 : vector<16xi32>, vector<16xi1> -> vector<16xi32>
      %reduce_max3A_95 = arith.xori %reduce_max3A_94, %reduce_max3A_92 : vector<16xi32>
      %reduce_max3A_96 = vector.extract %reduce_max3A_95[15] : i32 from vector<16xi32>
      %max3A = arith.constant 0 : i32
      %max3A_97 = arith.maxsi %reduce_max3A_96, %max3A : i32
      %reduce_sum3A = arith.constant true
      %reduce_sum3A_98 = vector.broadcast %reduce_sum3A : i1 to vector<16xi1>
      %reduce_sum3A_99 = tpu.scan <sum>, %gather3A_71 masked %reduce_sum3A_98 : vector<16xf32>, vector<16xi1> -> vector<16xf32>
      %reduce_sum3A_100 = vector.extract %reduce_sum3A_99[15] : f32 from vector<16xf32>
      %reduce_sum3A_101 = arith.constant true
      %reduce_sum3A_102 = vector.broadcast %reduce_sum3A_101 : i1 to vector<16xi1>
      %reduce_sum3A_103 = tpu.scan <sum>, %gather3A_75 masked %reduce_sum3A_102 : vector<16xf32>, vector<16xi1> -> vector<16xf32>
      %reduce_sum3A_104 = vector.extract %reduce_sum3A_103[15] : f32 from vector<16xf32>
      %reduce_sum3A_105 = arith.constant true
      %reduce_sum3A_106 = vector.broadcast %reduce_sum3A_105 : i1 to vector<16xi1>
      %reduce_sum3A_107 = tpu.scan <sum>, %gather3A_79 masked %reduce_sum3A_106 : vector<16xf32>, vector<16xi1> -> vector<16xf32>
      %reduce_sum3A_108 = vector.extract %reduce_sum3A_107[15] : f32 from vector<16xf32>
      %gt3A = arith.constant -5.000000e+29 : f32
      %gt3A_109 = arith.cmpf ogt, %reduce_max3A_83, %gt3A : f32
      %broadcast_in_dim3A_110 = vector.broadcast %max3A_97 : i32 to vector<16xi32>
      %gather3A_111 = tpu.vector_load_idx %arg13[%broadcast_in_dim3A_110] : memref<5120xf32, #tpu.memory_space<vmem>>[vector<16xi32>], vector<16xf32>,
      %gather3A_112 = tpu.vector_load_idx %arg14[%broadcast_in_dim3A_110] : memref<5120xf32, #tpu.memory_space<vmem>>[vector<16xi32>], vector<16xf32>,
      %gather3A_113 = tpu.vector_load_idx %arg15[%broadcast_in_dim3A_110] : memref<5120xf32, #tpu.memory_space<vmem>>[vector<16xi32>], vector<16xf32>,
      %gather3A_114 = tpu.vector_load_idx %arg16[%broadcast_in_dim3A_110] : memref<5120xf32, #tpu.memory_space<vmem>>[vector<16xi32>], vector<16xf32>,
      %gather3A_115 = tpu.vector_load_idx %arg17[%broadcast_in_dim3A_110] : memref<5120xf32, #tpu.memory_space<vmem>>[vector<16xi32>], vector<16xf32>,
      %gather3A_116 = tpu.vector_load_idx %arg18[%broadcast_in_dim3A_110] : memref<5120xi32, #tpu.memory_space<vmem>>[vector<16xi32>], vector<16xi32>,
      %broadcast_in_dim3A_117 = arith.constant 0.000000e+00 : f32
      %broadcast_in_dim3A_118 = vector.broadcast %broadcast_in_dim3A_117 : f32 to vector<16xf32>
      %broadcast_in_dim3A_119 = arith.constant 0.000000e+00 : f32
      %broadcast_in_dim3A_120 = vector.broadcast %broadcast_in_dim3A_119 : f32 to vector<16xf32>
      %broadcast_in_dim3A_121 = arith.constant 0.000000e+00 : f32
      %broadcast_in_dim3A_122 = vector.broadcast %broadcast_in_dim3A_121 : f32 to vector<16xf32>
      %broadcast_in_dim3A_123 = arith.constant 0.000000e+00 : f32
      %broadcast_in_dim3A_124 = vector.broadcast %broadcast_in_dim3A_123 : f32 to vector<16xf32>
      %while3A = arith.constant 1 : i32
      %while3A_125:13 = scf.while (%while3A_138 = %gt3A_109, %while3A_139 = %while3A, %while3A_140 = %max3A_97, %while3A_141 = %gather3A_111, %while3A_142 = %gather3A_112, %while3A_143 = %gather3A_113, %while3A_144 = %gather3A_114, %while3A_145 = %gather3A_115, %while3A_146 = %gather3A_116, %while3A_147 = %broadcast_in_dim3A_118, %while3A_148 = %broadcast_in_dim3A_120, %while3A_149 = %broadcast_in_dim3A_122, %while3A_150 = %broadcast_in_dim3A_124) : (i1, i32, i32, vector<16xf32>, vector<16xf32>, vector<16xf32>, vector<16xf32>, vector<16xf32>, vector<16xi32>, vector<16xf32>, vector<16xf32>, vector<16xf32>, vector<16xf32>) -> (i1, i32, i32, vector<16xf32>, vector<16xf32>, vector<16xf32>, vector<16xf32>, vector<16xf32>, vector<16xi32>, vector<16xf32>, vector<16xf32>, vector<16xf32>, vector<16xf32>) {
        scf.condition(%while3A_138) %while3A_138, %while3A_139, %while3A_140, %while3A_141, %while3A_142, %while3A_143, %while3A_144, %while3A_145, %while3A_146, %while3A_147, %while3A_148, %while3A_149, %while3A_150 : i1, i32, i32, vector<16xf32>, vector<16xf32>, vector<16xf32>, vector<16xf32>, vector<16xf32>, vector<16xi32>, vector<16xf32>, vector<16xf32>, vector<16xf32>, vector<16xf32>
      } do {
      ^bb0(%while3A_138: i1, %while3A_139: i32, %while3A_140: i32, %while3A_141: vector<16xf32>, %while3A_142: vector<16xf32>, %while3A_143: vector<16xf32>, %while3A_144: vector<16xf32>, %while3A_145: vector<16xf32>, %while3A_146: vector<16xi32>, %while3A_147: vector<16xf32>, %while3A_148: vector<16xf32>, %while3A_149: vector<16xf32>, %while3A_150: vector<16xf32>):
        %sub3A = arith.subf %while3A_143, %while3A_141 : vector<16xf32>
        %add3A_151 = arith.constant 1.000000e+00 : f32
        %add3A_152 = vector.broadcast %add3A_151 : f32 to vector<16xf32>
        %add3A_153 = arith.addf %sub3A, %add3A_152 : vector<16xf32>
        %sub3A_154 = arith.subf %while3A_144, %while3A_142 : vector<16xf32>
        %add3A_155 = arith.constant 1.000000e+00 : f32
        %add3A_156 = vector.broadcast %add3A_155 : f32 to vector<16xf32>
        %add3A_157 = arith.addf %sub3A_154, %add3A_156 : vector<16xf32>
        %mul3A_158 = arith.mulf %add3A_153, %add3A_157 : vector<16xf32>
        %gather3A_159 = tpu.vector_load_idx %arg25[%while3A_146] : memref<128xf32, #tpu.memory_space<vmem>>[vector<16xi32>], vector<16xf32>,
        %gather3A_160 = tpu.vector_load_idx %arg26[%while3A_146] : memref<128xf32, #tpu.memory_space<vmem>>[vector<16xi32>], vector<16xf32>,
        %gather3A_161 = tpu.vector_load_idx %arg27[%while3A_146] : memref<128xf32, #tpu.memory_space<vmem>>[vector<16xi32>], vector<16xf32>,
        %gather3A_162 = tpu.vector_load_idx %arg28[%while3A_146] : memref<128xf32, #tpu.memory_space<vmem>>[vector<16xi32>], vector<16xf32>,
        %sub3A_163 = arith.subf %gather3A_161, %gather3A_159 : vector<16xf32>
        %add3A_164 = arith.constant 1.000000e+00 : f32
        %add3A_165 = vector.broadcast %add3A_164 : f32 to vector<16xf32>
        %add3A_166 = arith.addf %sub3A_163, %add3A_165 : vector<16xf32>
        %sub3A_167 = arith.subf %gather3A_162, %gather3A_160 : vector<16xf32>
        %add3A_168 = arith.constant 1.000000e+00 : f32
        %add3A_169 = vector.broadcast %add3A_168 : f32 to vector<16xf32>
        %add3A_170 = arith.addf %sub3A_167, %add3A_169 : vector<16xf32>
        %mul3A_171 = arith.mulf %add3A_166, %add3A_170 : vector<16xf32>
        %broadcast_in_dim3A_172 = arith.constant 0.000000e+00 : f32
        %broadcast_in_dim3A_173 = vector.broadcast %broadcast_in_dim3A_172 : f32 to vector<16xf32>
        %broadcast_in_dim3A_174 = arith.constant 0.000000e+00 : f32
        %broadcast_in_dim3A_175 = vector.broadcast %broadcast_in_dim3A_174 : f32 to vector<16xf32>
        %broadcast_in_dim3A_176 = arith.constant 0.000000e+00 : f32
        %broadcast_in_dim3A_177 = vector.broadcast %broadcast_in_dim3A_176 : f32 to vector<16xf32>
        %broadcast_in_dim3A_178 = arith.constant -1.000000e+30 : f32
        %broadcast_in_dim3A_179 = vector.broadcast %broadcast_in_dim3A_178 : f32 to vector<16xf32>
        %broadcast_in_dim3A_180 = arith.constant -1 : i32
        %broadcast_in_dim3A_181 = vector.broadcast %broadcast_in_dim3A_180 : i32 to vector<16xi32>
        %parallel_loop3A_182 = arith.constant 0 : i32
        %parallel_loop3A_183 = arith.constant 20 : i32
        %parallel_loop3A_184 = arith.constant 1 : i32
        %parallel_loop3A_185:5 = scf.for %parallel_loop3A_443 = %parallel_loop3A_182 to %parallel_loop3A_183 step %parallel_loop3A_184 iter_args(%parallel_loop3A_444 = %broadcast_in_dim3A_173, %parallel_loop3A_445 = %broadcast_in_dim3A_175, %parallel_loop3A_446 = %broadcast_in_dim3A_177, %parallel_loop3A_447 = %broadcast_in_dim3A_179, %parallel_loop3A_448 = %broadcast_in_dim3A_181) -> (vector<16xf32>, vector<16xf32>, vector<16xf32>, vector<16xf32>, vector<16xi32>)  : i32 {
          %parallel_loop3A_449 = arith.addi %mul3A_2, %parallel_loop3A_443 : i32
          %parallel_loop3A_450 = arith.constant 16 : i32
          %parallel_loop3A_451 = arith.muli %parallel_loop3A_449, %parallel_loop3A_450 : i32
          %parallel_loop3A_452 = arith.constant 16 : i32
          %parallel_loop3A_453 = arith.muli %parallel_loop3A_449, %parallel_loop3A_452 : i32
          %parallel_loop3A_454 = vector.broadcast %parallel_loop3A_453 : i32 to vector<16xi32>
          %parallel_loop3A_455 = arith.addi %parallel_loop3A_454, %iota3A : vector<16xi32>
          %parallel_loop3A_456 = arith.index_cast %parallel_loop3A_451 : i32 to index
          %parallel_loop3A_457 = tpu.vector_load %arg13[%parallel_loop3A_456] {strides = array<i32>} : memref<5120xf32, #tpu.memory_space<vmem>>, vector<16xf32>,
          %parallel_loop3A_458 = arith.index_cast %parallel_loop3A_451 : i32 to index
          %parallel_loop3A_459 = tpu.vector_load %arg14[%parallel_loop3A_458] {strides = array<i32>} : memref<5120xf32, #tpu.memory_space<vmem>>, vector<16xf32>,
          %parallel_loop3A_460 = arith.index_cast %parallel_loop3A_451 : i32 to index
          %parallel_loop3A_461 = tpu.vector_load %arg15[%parallel_loop3A_460] {strides = array<i32>} : memref<5120xf32, #tpu.memory_space<vmem>>, vector<16xf32>,
          %parallel_loop3A_462 = arith.index_cast %parallel_loop3A_451 : i32 to index
          %parallel_loop3A_463 = tpu.vector_load %arg16[%parallel_loop3A_462] {strides = array<i32>} : memref<5120xf32, #tpu.memory_space<vmem>>, vector<16xf32>,
          %parallel_loop3A_464 = arith.index_cast %parallel_loop3A_451 : i32 to index
          %parallel_loop3A_465 = tpu.vector_load %arg17[%parallel_loop3A_464] {strides = array<i32>} : memref<5120xf32, #tpu.memory_space<vmem>>, vector<16xf32>,
          %parallel_loop3A_466 = arith.index_cast %parallel_loop3A_451 : i32 to index
          %parallel_loop3A_467 = tpu.vector_load %arg18[%parallel_loop3A_466] {strides = array<i32>} : memref<5120xi32, #tpu.memory_space<vmem>>, vector<16xi32>,
          %parallel_loop3A_468 = arith.index_cast %parallel_loop3A_451 : i32 to index
          %parallel_loop3A_469 = tpu.vector_load %arg20[%parallel_loop3A_468] {strides = array<i32>} : memref<5120xf32, #tpu.memory_space<vmem>>, vector<16xf32>,
          %parallel_loop3A_470 = arith.index_cast %parallel_loop3A_451 : i32 to index
          %parallel_loop3A_471 = tpu.vector_load %arg19[%parallel_loop3A_470] {strides = array<i32>} : memref<5120xi32, #tpu.memory_space<vmem>>, vector<16xi32>,
          %parallel_loop3A_472 = arith.constant 0 : i32
          %parallel_loop3A_473 = vector.broadcast %parallel_loop3A_472 : i32 to vector<16xi32>
          %parallel_loop3A_474 = arith.cmpi sgt, %parallel_loop3A_471, %parallel_loop3A_473 : vector<16xi32>
          %parallel_loop3A_475 = vector.broadcast %while3A_140 : i32 to vector<16xi32>
          %parallel_loop3A_476 = arith.cmpi ne, %parallel_loop3A_455, %parallel_loop3A_475 : vector<16xi32>
          %parallel_loop3A_477 = arith.andi %parallel_loop3A_474, %parallel_loop3A_476 : vector<16xi1>
          %parallel_loop3A_478 = arith.constant 1.000000e+00 : f32
          %parallel_loop3A_479 = arith.constant 0.000000e+00 : f32
          %parallel_loop3A_480 = vector.broadcast %parallel_loop3A_478 : f32 to vector<16xf32>
          %parallel_loop3A_481 = vector.broadcast %parallel_loop3A_479 : f32 to vector<16xf32>
          %parallel_loop3A_482 = arith.select %parallel_loop3A_477, %parallel_loop3A_480, %parallel_loop3A_481 : vector<16xi1>, vector<16xf32>
          %parallel_loop3A_483 = arith.addf %parallel_loop3A_444, %parallel_loop3A_482 : vector<16xf32>
          %parallel_loop3A_484 = arith.minimumf %while3A_143, %parallel_loop3A_461 : vector<16xf32>
          %parallel_loop3A_485 = arith.maximumf %while3A_141, %parallel_loop3A_457 : vector<16xf32>
          %parallel_loop3A_486 = arith.subf %parallel_loop3A_484, %parallel_loop3A_485 : vector<16xf32>
          %parallel_loop3A_487 = arith.constant 1.000000e+00 : f32
          %parallel_loop3A_488 = vector.broadcast %parallel_loop3A_487 : f32 to vector<16xf32>
          %parallel_loop3A_489 = arith.addf %parallel_loop3A_486, %parallel_loop3A_488 : vector<16xf32>
          %parallel_loop3A_490 = arith.constant 0.000000e+00 : f32
          %parallel_loop3A_491 = vector.broadcast %parallel_loop3A_490 : f32 to vector<16xf32>
          %parallel_loop3A_492 = arith.maximumf %parallel_loop3A_489, %parallel_loop3A_491 : vector<16xf32>
          %parallel_loop3A_493 = arith.minimumf %while3A_144, %parallel_loop3A_463 : vector<16xf32>
          %parallel_loop3A_494 = arith.maximumf %while3A_142, %parallel_loop3A_459 : vector<16xf32>
          %parallel_loop3A_495 = arith.subf %parallel_loop3A_493, %parallel_loop3A_494 : vector<16xf32>
          %parallel_loop3A_496 = arith.constant 1.000000e+00 : f32
          %parallel_loop3A_497 = vector.broadcast %parallel_loop3A_496 : f32 to vector<16xf32>
          %parallel_loop3A_498 = arith.addf %parallel_loop3A_495, %parallel_loop3A_497 : vector<16xf32>
          %parallel_loop3A_499 = arith.constant 0.000000e+00 : f32
          %parallel_loop3A_500 = vector.broadcast %parallel_loop3A_499 : f32 to vector<16xf32>
          %parallel_loop3A_501 = arith.maximumf %parallel_loop3A_498, %parallel_loop3A_500 : vector<16xf32>
          %parallel_loop3A_502 = arith.mulf %parallel_loop3A_492, %parallel_loop3A_501 : vector<16xf32>
          %parallel_loop3A_503 = arith.addf %mul3A_158, %parallel_loop3A_469 : vector<16xf32>
          %parallel_loop3A_504 = arith.subf %parallel_loop3A_503, %parallel_loop3A_502 : vector<16xf32>
          %parallel_loop3A_505 = arith.divf %parallel_loop3A_502, %parallel_loop3A_504 : vector<16xf32>
          %parallel_loop3A_506 = arith.index_cast %parallel_loop3A_451 : i32 to index
          %parallel_loop3A_507 = tpu.vector_load %arg21[%parallel_loop3A_506] {strides = array<i32>} : memref<5120xf32, #tpu.memory_space<vmem>>, vector<16xf32>,
          %parallel_loop3A_508 = arith.index_cast %parallel_loop3A_451 : i32 to index
          %parallel_loop3A_509 = tpu.vector_load %arg22[%parallel_loop3A_508] {strides = array<i32>} : memref<5120xf32, #tpu.memory_space<vmem>>, vector<16xf32>,
          %parallel_loop3A_510 = arith.index_cast %parallel_loop3A_451 : i32 to index
          %parallel_loop3A_511 = tpu.vector_load %arg23[%parallel_loop3A_510] {strides = array<i32>} : memref<5120xf32, #tpu.memory_space<vmem>>, vector<16xf32>,
          %parallel_loop3A_512 = arith.index_cast %parallel_loop3A_451 : i32 to index
          %parallel_loop3A_513 = tpu.vector_load %arg24[%parallel_loop3A_512] {strides = array<i32>} : memref<5120xf32, #tpu.memory_space<vmem>>, vector<16xf32>,
          %parallel_loop3A_514 = arith.subf %parallel_loop3A_511, %parallel_loop3A_507 : vector<16xf32>
          %parallel_loop3A_515 = arith.constant 1.000000e+00 : f32
          %parallel_loop3A_516 = vector.broadcast %parallel_loop3A_515 : f32 to vector<16xf32>
          %parallel_loop3A_517 = arith.addf %parallel_loop3A_514, %parallel_loop3A_516 : vector<16xf32>
          %parallel_loop3A_518 = arith.subf %parallel_loop3A_513, %parallel_loop3A_509 : vector<16xf32>
          %parallel_loop3A_519 = arith.constant 1.000000e+00 : f32
          %parallel_loop3A_520 = vector.broadcast %parallel_loop3A_519 : f32 to vector<16xf32>
          %parallel_loop3A_521 = arith.addf %parallel_loop3A_518, %parallel_loop3A_520 : vector<16xf32>
          %parallel_loop3A_522 = arith.mulf %parallel_loop3A_517, %parallel_loop3A_521 : vector<16xf32>
          %parallel_loop3A_523 = arith.minimumf %gather3A_161, %parallel_loop3A_511 : vector<16xf32>
          %parallel_loop3A_524 = arith.maximumf %gather3A_159, %parallel_loop3A_507 : vector<16xf32>
          %parallel_loop3A_525 = arith.subf %parallel_loop3A_523, %parallel_loop3A_524 : vector<16xf32>
          %parallel_loop3A_526 = arith.constant 1.000000e+00 : f32
          %parallel_loop3A_527 = vector.broadcast %parallel_loop3A_526 : f32 to vector<16xf32>
          %parallel_loop3A_528 = arith.addf %parallel_loop3A_525, %parallel_loop3A_527 : vector<16xf32>
          %parallel_loop3A_529 = arith.constant 0.000000e+00 : f32
          %parallel_loop3A_530 = vector.broadcast %parallel_loop3A_529 : f32 to vector<16xf32>
          %parallel_loop3A_531 = arith.maximumf %parallel_loop3A_528, %parallel_loop3A_530 : vector<16xf32>
          %parallel_loop3A_532 = arith.minimumf %gather3A_162, %parallel_loop3A_513 : vector<16xf32>
          %parallel_loop3A_533 = arith.maximumf %gather3A_160, %parallel_loop3A_509 : vector<16xf32>
          %parallel_loop3A_534 = arith.subf %parallel_loop3A_532, %parallel_loop3A_533 : vector<16xf32>
          %parallel_loop3A_535 = arith.constant 1.000000e+00 : f32
          %parallel_loop3A_536 = vector.broadcast %parallel_loop3A_535 : f32 to vector<16xf32>
          %parallel_loop3A_537 = arith.addf %parallel_loop3A_534, %parallel_loop3A_536 : vector<16xf32>
          %parallel_loop3A_538 = arith.constant 0.000000e+00 : f32
          %parallel_loop3A_539 = vector.broadcast %parallel_loop3A_538 : f32 to vector<16xf32>
          %parallel_loop3A_540 = arith.maximumf %parallel_loop3A_537, %parallel_loop3A_539 : vector<16xf32>
          %parallel_loop3A_541 = arith.mulf %parallel_loop3A_531, %parallel_loop3A_540 : vector<16xf32>
          %parallel_loop3A_542 = arith.addf %mul3A_171, %parallel_loop3A_522 : vector<16xf32>
          %parallel_loop3A_543 = arith.subf %parallel_loop3A_542, %parallel_loop3A_541 : vector<16xf32>
          %parallel_loop3A_544 = arith.divf %parallel_loop3A_541, %parallel_loop3A_543 : vector<16xf32>
          %parallel_loop3A_545 = arith.constant 5.000000e-01 : f32
          %parallel_loop3A_546 = vector.broadcast %parallel_loop3A_545 : f32 to vector<16xf32>
          %parallel_loop3A_547 = arith.cmpf ogt, %parallel_loop3A_505, %parallel_loop3A_546 : vector<16xf32>
          %parallel_loop3A_548 = arith.andi %parallel_loop3A_477, %parallel_loop3A_547 : vector<16xi1>
          %parallel_loop3A_549 = arith.cmpi ne, %parallel_loop3A_467, %while3A_146 : vector<16xi32>
          %parallel_loop3A_550 = arith.andi %parallel_loop3A_548, %parallel_loop3A_549 : vector<16xi1>
          %parallel_loop3A_551 = arith.cmpf ogt, %parallel_loop3A_505, %parallel_loop3A_544 : vector<16xf32>
          %parallel_loop3A_552 = arith.andi %parallel_loop3A_550, %parallel_loop3A_551 : vector<16xi1>
          %parallel_loop3A_553 = arith.constant 1.000000e+00 : f32
          %parallel_loop3A_554 = arith.constant 0.000000e+00 : f32
          %parallel_loop3A_555 = vector.broadcast %parallel_loop3A_553 : f32 to vector<16xf32>
          %parallel_loop3A_556 = vector.broadcast %parallel_loop3A_554 : f32 to vector<16xf32>
          %parallel_loop3A_557 = arith.select %parallel_loop3A_552, %parallel_loop3A_555, %parallel_loop3A_556 : vector<16xi1>, vector<16xf32>
          %parallel_loop3A_558 = arith.addf %parallel_loop3A_445, %parallel_loop3A_557 : vector<16xf32>
          %parallel_loop3A_559 = arith.constant 1.500000e+00 : f32
          %parallel_loop3A_560 = vector.broadcast %parallel_loop3A_559 : f32 to vector<16xf32>
          %parallel_loop3A_561 = arith.subf %parallel_loop3A_560, %parallel_loop3A_505 : vector<16xf32>
          %parallel_loop3A_562 = tpu.bitcast %parallel_loop3A_561 : vector<16xf32> -> vector<16xi32>
          %parallel_loop3A_563 = arith.constant 23 : i32
          %parallel_loop3A_564 = vector.broadcast %parallel_loop3A_563 : i32 to vector<16xi32>
          %parallel_loop3A_565 = arith.shrui %parallel_loop3A_562, %parallel_loop3A_564 : vector<16xi32>
          %parallel_loop3A_566 = arith.constant 127 : i32
          %parallel_loop3A_567 = vector.broadcast %parallel_loop3A_566 : i32 to vector<16xi32>
          %parallel_loop3A_568 = arith.subi %parallel_loop3A_565, %parallel_loop3A_567 : vector<16xi32>
          %parallel_loop3A_569 = arith.constant 8388607 : i32
          %parallel_loop3A_570 = vector.broadcast %parallel_loop3A_569 : i32 to vector<16xi32>
          %parallel_loop3A_571 = arith.andi %parallel_loop3A_562, %parallel_loop3A_570 : vector<16xi32>
          %parallel_loop3A_572 = arith.constant 1065353216 : i32
          %parallel_loop3A_573 = vector.broadcast %parallel_loop3A_572 : i32 to vector<16xi32>
          %parallel_loop3A_574 = arith.ori %parallel_loop3A_571, %parallel_loop3A_573 : vector<16xi32>
          %parallel_loop3A_575 = tpu.bitcast %parallel_loop3A_574 : vector<16xi32> -> vector<16xf32>
          %parallel_loop3A_576 = arith.constant 1.000000e+00 : f32
          %parallel_loop3A_577 = vector.broadcast %parallel_loop3A_576 : f32 to vector<16xf32>
          %parallel_loop3A_578 = arith.subf %parallel_loop3A_575, %parallel_loop3A_577 : vector<16xf32>
          %parallel_loop3A_579 = arith.constant 1.000000e+00 : f32
          %parallel_loop3A_580 = vector.broadcast %parallel_loop3A_579 : f32 to vector<16xf32>
          %parallel_loop3A_581 = arith.addf %parallel_loop3A_575, %parallel_loop3A_580 : vector<16xf32>
          %parallel_loop3A_582 = arith.divf %parallel_loop3A_578, %parallel_loop3A_581 : vector<16xf32>
          %parallel_loop3A_583 = arith.mulf %parallel_loop3A_582, %parallel_loop3A_582 : vector<16xf32>
          %parallel_loop3A_584 = arith.constant 0.285714298 : f32
          %parallel_loop3A_585 = vector.broadcast %parallel_loop3A_584 : f32 to vector<16xf32>
          %parallel_loop3A_586 = arith.mulf %parallel_loop3A_583, %parallel_loop3A_585 : vector<16xf32>
          %parallel_loop3A_587 = arith.constant 4.000000e-01 : f32
          %parallel_loop3A_588 = vector.broadcast %parallel_loop3A_587 : f32 to vector<16xf32>
          %parallel_loop3A_589 = arith.addf %parallel_loop3A_588, %parallel_loop3A_586 : vector<16xf32>
          %parallel_loop3A_590 = arith.mulf %parallel_loop3A_583, %parallel_loop3A_589 : vector<16xf32>
          %parallel_loop3A_591 = arith.constant 0.666666686 : f32
          %parallel_loop3A_592 = vector.broadcast %parallel_loop3A_591 : f32 to vector<16xf32>
          %parallel_loop3A_593 = arith.addf %parallel_loop3A_592, %parallel_loop3A_590 : vector<16xf32>
          %parallel_loop3A_594 = arith.mulf %parallel_loop3A_583, %parallel_loop3A_593 : vector<16xf32>
          %parallel_loop3A_595 = arith.constant 2.000000e+00 : f32
          %parallel_loop3A_596 = vector.broadcast %parallel_loop3A_595 : f32 to vector<16xf32>
          %parallel_loop3A_597 = arith.addf %parallel_loop3A_596, %parallel_loop3A_594 : vector<16xf32>
          %parallel_loop3A_598 = arith.mulf %parallel_loop3A_582, %parallel_loop3A_597 : vector<16xf32>
          %parallel_loop3A_599 = arith.sitofp %parallel_loop3A_568 : vector<16xi32> to vector<16xf32>
          %parallel_loop3A_600 = arith.constant 0.693147182 : f32
          %parallel_loop3A_601 = vector.broadcast %parallel_loop3A_600 : f32 to vector<16xf32>
          %parallel_loop3A_602 = arith.mulf %parallel_loop3A_599, %parallel_loop3A_601 : vector<16xf32>
          %parallel_loop3A_603 = arith.addf %parallel_loop3A_602, %parallel_loop3A_598 : vector<16xf32>
          %parallel_loop3A_604 = arith.constant 0.000000e+00 : f32
          %parallel_loop3A_605 = vector.broadcast %parallel_loop3A_604 : f32 to vector<16xf32>
          %parallel_loop3A_606 = arith.subf %parallel_loop3A_605, %parallel_loop3A_603 : vector<16xf32>
          %parallel_loop3A_607 = arith.mulf %parallel_loop3A_606, %parallel_loop3A_465 : vector<16xf32>
          %parallel_loop3A_608 = arith.constant 0.000000e+00 : f32
          %parallel_loop3A_609 = vector.broadcast %parallel_loop3A_608 : f32 to vector<16xf32>
          %parallel_loop3A_610 = arith.select %parallel_loop3A_552, %parallel_loop3A_607, %parallel_loop3A_609 : vector<16xi1>, vector<16xf32>
          %parallel_loop3A_611 = arith.addf %parallel_loop3A_446, %parallel_loop3A_610 : vector<16xf32>
          %parallel_loop3A_612 = arith.constant 5.000000e-01 : f32
          %parallel_loop3A_613 = vector.broadcast %parallel_loop3A_612 : f32 to vector<16xf32>
          %parallel_loop3A_614 = arith.cmpf ole, %parallel_loop3A_505, %parallel_loop3A_613 : vector<16xf32>
          %parallel_loop3A_615 = arith.andi %parallel_loop3A_477, %parallel_loop3A_614 : vector<16xi1>
          %parallel_loop3A_616 = arith.extui %parallel_loop3A_615 : vector<16xi1> to vector<16xi32>
          %parallel_loop3A_617 = arith.index_cast %parallel_loop3A_451 : i32 to index
          %parallel_loop3A_618 = tpu.vector_load %arg19[%parallel_loop3A_617] {strides = array<i32>} : memref<5120xi32, #tpu.memory_space<vmem>>, vector<16xi32>,
          tpu.vector_store %arg19[%parallel_loop3A_617], %parallel_loop3A_616 {strides = array<i32>} : memref<5120xi32, #tpu.memory_space<vmem>>, vector<16xi32>,
          %parallel_loop3A_619 = arith.constant -1.000000e+30 : f32
          %parallel_loop3A_620 = vector.broadcast %parallel_loop3A_619 : f32 to vector<16xf32>
          %parallel_loop3A_621 = arith.select %parallel_loop3A_615, %parallel_loop3A_465, %parallel_loop3A_620 : vector<16xi1>, vector<16xf32>
          %parallel_loop3A_622 = arith.cmpf oge, %parallel_loop3A_621, %parallel_loop3A_447 : vector<16xf32>
          %parallel_loop3A_623 = arith.select %parallel_loop3A_622, %parallel_loop3A_621, %parallel_loop3A_447 : vector<16xi1>, vector<16xf32>
          %parallel_loop3A_624 = arith.select %parallel_loop3A_622, %parallel_loop3A_455, %parallel_loop3A_448 : vector<16xi1>, vector<16xi32>
          scf.yield %parallel_loop3A_483, %parallel_loop3A_558, %parallel_loop3A_611, %parallel_loop3A_623, %parallel_loop3A_624 : vector<16xf32>, vector<16xf32>, vector<16xf32>, vector<16xf32>, vector<16xi32>
        } {sc.loop_unroll_factor = 2 : i64, sc.parallel_access}
        %reduce_max3A_186 = arith.constant true
        %reduce_max3A_187 = vector.broadcast %reduce_max3A_186 : i1 to vector<16xi1>
        %reduce_max3A_188 = tpu.scan <max>, %parallel_loop3A_185#3 masked %reduce_max3A_187 : vector<16xf32>, vector<16xi1> -> vector<16xf32>
        %reduce_max3A_189 = vector.extract %reduce_max3A_188[15] : f32 from vector<16xf32>
        %eq3A_190 = vector.broadcast %reduce_max3A_189 : f32 to vector<16xf32>
        %eq3A_191 = arith.cmpf oeq, %parallel_loop3A_185#3, %eq3A_190 : vector<16xf32>
        %jit3A_192 = arith.constant -1 : i32
        %broadcast_in_dim3A_193 = vector.broadcast %jit3A_192 : i32 to vector<16xi32>
        %select_n3A_194 = arith.select %eq3A_191, %parallel_loop3A_185#4, %broadcast_in_dim3A_193 : vector<16xi1>, vector<16xi32>
        %reduce_max3A_195 = arith.constant true
        %reduce_max3A_196 = vector.broadcast %reduce_max3A_195 : i1 to vector<16xi1>
        %reduce_max3A_197 = arith.constant -2147483648 : i32
        %reduce_max3A_198 = vector.broadcast %reduce_max3A_197 : i32 to vector<16xi32>
        %reduce_max3A_199 = arith.xori %select_n3A_194, %reduce_max3A_198 : vector<16xi32>
        %reduce_max3A_200 = tpu.scan <max>, %reduce_max3A_199 masked %reduce_max3A_196 : vector<16xi32>, vector<16xi1> -> vector<16xi32>
        %reduce_max3A_201 = arith.xori %reduce_max3A_200, %reduce_max3A_198 : vector<16xi32>
        %reduce_max3A_202 = vector.extract %reduce_max3A_201[15] : i32 from vector<16xi32>
        %reduce_sum3A_203 = arith.constant true
        %reduce_sum3A_204 = vector.broadcast %reduce_sum3A_203 : i1 to vector<16xi1>
        %reduce_sum3A_205 = tpu.scan <sum>, %parallel_loop3A_185#0 masked %reduce_sum3A_204 : vector<16xf32>, vector<16xi1> -> vector<16xf32>
        %reduce_sum3A_206 = vector.extract %reduce_sum3A_205[15] : f32 from vector<16xf32>
        %reduce_sum3A_207 = arith.constant true
        %reduce_sum3A_208 = vector.broadcast %reduce_sum3A_207 : i1 to vector<16xi1>
        %reduce_sum3A_209 = tpu.scan <sum>, %parallel_loop3A_185#1 masked %reduce_sum3A_208 : vector<16xf32>, vector<16xi1> -> vector<16xf32>
        %reduce_sum3A_210 = vector.extract %reduce_sum3A_209[15] : f32 from vector<16xf32>
        %reduce_sum3A_211 = arith.constant true
        %reduce_sum3A_212 = vector.broadcast %reduce_sum3A_211 : i1 to vector<16xi1>
        %reduce_sum3A_213 = tpu.scan <sum>, %parallel_loop3A_185#2 masked %reduce_sum3A_212 : vector<16xf32>, vector<16xi1> -> vector<16xf32>
        %reduce_sum3A_214 = vector.extract %reduce_sum3A_213[15] : f32 from vector<16xf32>
        %eq3A_215 = arith.constant 0 : i32
        %eq3A_216 = vector.broadcast %eq3A_215 : i32 to vector<16xi32>
        %eq3A_217 = arith.cmpi eq, %iota3A, %eq3A_216 : vector<16xi32>
        %broadcast_in_dim3A_218 = vector.broadcast %reduce_max3A_189 : f32 to vector<16xf32>
        %eq3A_219 = arith.constant 1 : i32
        %eq3A_220 = vector.broadcast %eq3A_219 : i32 to vector<16xi32>
        %eq3A_221 = arith.cmpi eq, %iota3A, %eq3A_220 : vector<16xi32>
        %convert_element_type3A_222 = arith.sitofp %reduce_max3A_202 : i32 to f32
        %broadcast_in_dim3A_223 = vector.broadcast %convert_element_type3A_222 : f32 to vector<16xf32>
        %eq3A_224 = arith.constant 2 : i32
        %eq3A_225 = vector.broadcast %eq3A_224 : i32 to vector<16xi32>
        %eq3A_226 = arith.cmpi eq, %iota3A, %eq3A_225 : vector<16xi32>
        %broadcast_in_dim3A_227 = vector.broadcast %reduce_sum3A_206 : f32 to vector<16xf32>
        %eq3A_228 = arith.constant 3 : i32
        %eq3A_229 = vector.broadcast %eq3A_228 : i32 to vector<16xi32>
        %eq3A_230 = arith.cmpi eq, %iota3A, %eq3A_229 : vector<16xi32>
        %broadcast_in_dim3A_231 = vector.broadcast %reduce_sum3A_210 : f32 to vector<16xf32>
        %broadcast_in_dim3A_232 = vector.broadcast %reduce_sum3A_214 : f32 to vector<16xf32>
        %select_n3A_233 = arith.select %eq3A_230, %broadcast_in_dim3A_231, %broadcast_in_dim3A_232 : vector<16xi1>, vector<16xf32>
        %select_n3A_234 = arith.select %eq3A_226, %broadcast_in_dim3A_227, %select_n3A_233 : vector<16xi1>, vector<16xf32>
        %select_n3A_235 = arith.select %eq3A_221, %broadcast_in_dim3A_223, %select_n3A_234 : vector<16xi1>, vector<16xf32>
        %select_n3A_236 = arith.select %eq3A_217, %broadcast_in_dim3A_218, %select_n3A_235 : vector<16xi1>, vector<16xf32>
        %swap3A_237 = arith.constant 0 : index
        %swap3A_238 = tpu.vector_load %arg30[%swap3A_237] {strides = array<i32>} : memref<16xf32, #tpu.memory_space<vmem>>, vector<16xf32>,
        tpu.vector_store %arg30[%swap3A_237], %select_n3A_236 {strides = array<i32>} : memref<16xf32, #tpu.memory_space<vmem>>, vector<16xf32>,
        %mul3A_239 = arith.constant 16 : i32
        %mul3A_240 = arith.muli %while3A_139, %mul3A_239 : i32
        %mul3A_241 = arith.constant 16 : i32
        %mul3A_242 = arith.muli %mul3A_240, %mul3A_241 : i32
        %mul3A_243 = arith.constant 16 : i32
        %mul3A_244 = arith.muli %arg1, %mul3A_243 : i32
        %add3A_245 = arith.addi %mul3A_242, %mul3A_244 : i32
        %dma_start3A_246 = tpu.memref_slice %arg33[%add3A_245] : memref<512xf32, #tpu.memory_space<vmem_shared>> -> memref<16xf32, #tpu.memory_space<vmem_shared>>
        %dma_start3A_247 = tpu.memref_slice %arg33[%add3A_245] : memref<512xf32, #tpu.memory_space<vmem_shared>> -> memref<16xf32, #tpu.memory_space<vmem_shared>>
        tpu.enqueue_dma source(%arg30 : memref<16xf32, #tpu.memory_space<vmem>>) target(%dma_start3A_247 : memref<16xf32, #tpu.memory_space<vmem_shared>>) target_semaphore(%arg34 : memref<!tpu.dma_semaphore, #tpu.memory_space<semaphore_mem>>)
        %gather3A_248 = tpu.vector_load_idx %arg29[%while3A_146] : memref<128xi32, #tpu.memory_space<vmem>>[vector<16xi32>], vector<16xi32>,
        %ge3A = arith.constant 0 : i32
        %ge3A_249 = vector.broadcast %ge3A : i32 to vector<16xi32>
        %ge3A_250 = arith.cmpi sge, %gather3A_248, %ge3A_249 : vector<16xi32>
        %max3A_251 = arith.constant 0 : i32
        %max3A_252 = vector.broadcast %max3A_251 : i32 to vector<16xi32>
        %max3A_253 = arith.maxsi %gather3A_248, %max3A_252 : vector<16xi32>
        %gather3A_254 = tpu.vector_load_idx %arg13[%max3A_253] : memref<5120xf32, #tpu.memory_space<vmem>>[vector<16xi32>], vector<16xf32>,
        %gather3A_255 = tpu.vector_load_idx %arg14[%max3A_253] : memref<5120xf32, #tpu.memory_space<vmem>>[vector<16xi32>], vector<16xf32>,
        %gather3A_256 = tpu.vector_load_idx %arg15[%max3A_253] : memref<5120xf32, #tpu.memory_space<vmem>>[vector<16xi32>], vector<16xf32>,
        %gather3A_257 = tpu.vector_load_idx %arg16[%max3A_253] : memref<5120xf32, #tpu.memory_space<vmem>>[vector<16xi32>], vector<16xf32>,
        %sub3A_258 = arith.subf %gather3A_256, %gather3A_254 : vector<16xf32>
        %add3A_259 = arith.constant 1.000000e+00 : f32
        %add3A_260 = vector.broadcast %add3A_259 : f32 to vector<16xf32>
        %add3A_261 = arith.addf %sub3A_258, %add3A_260 : vector<16xf32>
        %sub3A_262 = arith.subf %gather3A_257, %gather3A_255 : vector<16xf32>
        %add3A_263 = arith.constant 1.000000e+00 : f32
        %add3A_264 = vector.broadcast %add3A_263 : f32 to vector<16xf32>
        %add3A_265 = arith.addf %sub3A_262, %add3A_264 : vector<16xf32>
        %mul3A_266 = arith.mulf %add3A_261, %add3A_265 : vector<16xf32>
        %min3A = arith.minimumf %while3A_143, %gather3A_256 : vector<16xf32>
        %max3A_267 = arith.maximumf %while3A_141, %gather3A_254 : vector<16xf32>
        %sub3A_268 = arith.subf %min3A, %max3A_267 : vector<16xf32>
        %add3A_269 = arith.constant 1.000000e+00 : f32
        %add3A_270 = vector.broadcast %add3A_269 : f32 to vector<16xf32>
        %add3A_271 = arith.addf %sub3A_268, %add3A_270 : vector<16xf32>
        %max3A_272 = arith.constant 0.000000e+00 : f32
        %max3A_273 = vector.broadcast %max3A_272 : f32 to vector<16xf32>
        %max3A_274 = arith.maximumf %add3A_271, %max3A_273 : vector<16xf32>
        %min3A_275 = arith.minimumf %while3A_144, %gather3A_257 : vector<16xf32>
        %max3A_276 = arith.maximumf %while3A_142, %gather3A_255 : vector<16xf32>
        %sub3A_277 = arith.subf %min3A_275, %max3A_276 : vector<16xf32>
        %add3A_278 = arith.constant 1.000000e+00 : f32
        %add3A_279 = vector.broadcast %add3A_278 : f32 to vector<16xf32>
        %add3A_280 = arith.addf %sub3A_277, %add3A_279 : vector<16xf32>
        %max3A_281 = arith.constant 0.000000e+00 : f32
        %max3A_282 = vector.broadcast %max3A_281 : f32 to vector<16xf32>
        %max3A_283 = arith.maximumf %add3A_280, %max3A_282 : vector<16xf32>
        %mul3A_284 = arith.mulf %max3A_274, %max3A_283 : vector<16xf32>
        %add3A_285 = arith.addf %mul3A_158, %mul3A_266 : vector<16xf32>
        %sub3A_286 = arith.subf %add3A_285, %mul3A_284 : vector<16xf32>
        %div3A_287 = arith.divf %mul3A_284, %sub3A_286 : vector<16xf32>
        %max3A_288 = arith.constant 9.99999997E-7 : f32
        %max3A_289 = vector.broadcast %max3A_288 : f32 to vector<16xf32>
        %max3A_290 = arith.maximumf %div3A_287, %max3A_289 : vector<16xf32>
        %bitcast_convert_type3A = tpu.bitcast %max3A_290 : vector<16xf32> -> vector<16xi32>
        %shift_right_logical3A = arith.constant 23 : i32
        %shift_right_logical3A_291 = vector.broadcast %shift_right_logical3A : i32 to vector<16xi32>
        %shift_right_logical3A_292 = arith.shrui %bitcast_convert_type3A, %shift_right_logical3A_291 : vector<16xi32>
        %sub3A_293 = arith.constant 127 : i32
        %sub3A_294 = vector.broadcast %sub3A_293 : i32 to vector<16xi32>
        %sub3A_295 = arith.subi %shift_right_logical3A_292, %sub3A_294 : vector<16xi32>
        %and3A = arith.constant 8388607 : i32
        %and3A_296 = vector.broadcast %and3A : i32 to vector<16xi32>
        %and3A_297 = arith.andi %bitcast_convert_type3A, %and3A_296 : vector<16xi32>
        %or3A = arith.constant 1065353216 : i32
        %or3A_298 = vector.broadcast %or3A : i32 to vector<16xi32>
        %or3A_299 = arith.ori %and3A_297, %or3A_298 : vector<16xi32>
        %bitcast_convert_type3A_300 = tpu.bitcast %or3A_299 : vector<16xi32> -> vector<16xf32>
        %sub3A_301 = arith.constant 1.000000e+00 : f32
        %sub3A_302 = vector.broadcast %sub3A_301 : f32 to vector<16xf32>
        %sub3A_303 = arith.subf %bitcast_convert_type3A_300, %sub3A_302 : vector<16xf32>
        %add3A_304 = arith.constant 1.000000e+00 : f32
        %add3A_305 = vector.broadcast %add3A_304 : f32 to vector<16xf32>
        %add3A_306 = arith.addf %bitcast_convert_type3A_300, %add3A_305 : vector<16xf32>
        %div3A_307 = arith.divf %sub3A_303, %add3A_306 : vector<16xf32>
        %mul3A_308 = arith.mulf %div3A_307, %div3A_307 : vector<16xf32>
        %mul3A_309 = arith.constant 0.285714298 : f32
        %mul3A_310 = vector.broadcast %mul3A_309 : f32 to vector<16xf32>
        %mul3A_311 = arith.mulf %mul3A_308, %mul3A_310 : vector<16xf32>
        %add3A_312 = arith.constant 4.000000e-01 : f32
        %add3A_313 = vector.broadcast %add3A_312 : f32 to vector<16xf32>
        %add3A_314 = arith.addf %add3A_313, %mul3A_311 : vector<16xf32>
        %mul3A_315 = arith.mulf %mul3A_308, %add3A_314 : vector<16xf32>
        %add3A_316 = arith.constant 0.666666686 : f32
        %add3A_317 = vector.broadcast %add3A_316 : f32 to vector<16xf32>
        %add3A_318 = arith.addf %add3A_317, %mul3A_315 : vector<16xf32>
        %mul3A_319 = arith.mulf %mul3A_308, %add3A_318 : vector<16xf32>
        %add3A_320 = arith.constant 2.000000e+00 : f32
        %add3A_321 = vector.broadcast %add3A_320 : f32 to vector<16xf32>
        %add3A_322 = arith.addf %add3A_321, %mul3A_319 : vector<16xf32>
        %mul3A_323 = arith.mulf %div3A_307, %add3A_322 : vector<16xf32>
        %convert_element_type3A_324 = arith.sitofp %sub3A_295 : vector<16xi32> to vector<16xf32>
        %mul3A_325 = arith.constant 0.693147182 : f32
        %mul3A_326 = vector.broadcast %mul3A_325 : f32 to vector<16xf32>
        %mul3A_327 = arith.mulf %convert_element_type3A_324, %mul3A_326 : vector<16xf32>
        %add3A_328 = arith.addf %mul3A_327, %mul3A_323 : vector<16xf32>
        %neg3A = arith.constant 0.000000e+00 : f32
        %neg3A_329 = vector.broadcast %neg3A : f32 to vector<16xf32>
        %neg3A_330 = arith.subf %neg3A_329, %add3A_328 : vector<16xf32>
        %mul3A_331 = arith.mulf %neg3A_330, %while3A_145 : vector<16xf32>
        %jit3A_332 = arith.constant 0.000000e+00 : f32
        %broadcast_in_dim3A_333 = vector.broadcast %jit3A_332 : f32 to vector<16xf32>
        %select_n3A_334 = arith.select %ge3A_250, %mul3A_331, %broadcast_in_dim3A_333 : vector<16xi1>, vector<16xf32>
        %broadcast_in_dim3A_335 = vector.broadcast %while3A_140 : i32 to vector<16xi32>
        %eq3A_336 = arith.constant 0 : i32
        %eq3A_337 = vector.broadcast %eq3A_336 : i32 to vector<16xi32>
        %eq3A_338 = arith.cmpi eq, %iota3A, %eq3A_337 : vector<16xi32>
        %lt3A = arith.constant 0 : i32
        %lt3A_339 = vector.broadcast %lt3A : i32 to vector<16xi32>
        %lt3A_340 = arith.cmpi slt, %gather3A_248, %lt3A_339 : vector<16xi32>
        %and3A_341 = arith.andi %eq3A_338, %lt3A_340 : vector<16xi1>
        tpu.vector_store_idx %arg29[%while3A_146], %broadcast_in_dim3A_335 masked %and3A_341 : memref<128xi32, #tpu.memory_space<vmem>>[vector<16xi32>], vector<16xi32>, vector<16xi1>
        %dma_wait3A_342 = tpu.memref_slice %arg33[%add3A_245] : memref<512xf32, #tpu.memory_space<vmem_shared>> -> memref<16xf32, #tpu.memory_space<vmem_shared>>
        %dma_wait3A_343 = tpu.memref_slice %arg33[%add3A_245] : memref<512xf32, #tpu.memory_space<vmem_shared>> -> memref<16xf32, #tpu.memory_space<vmem_shared>>
        tpu.wait_dma2 semaphore(%arg34 : memref<!tpu.dma_semaphore, #tpu.memory_space<semaphore_mem>>) src(%arg30 : memref<16xf32, #tpu.memory_space<vmem>>) dst(%dma_wait3A_343 : memref<16xf32, #tpu.memory_space<vmem_shared>>)
        %barrier3A_344 = arith.constant 0 : index
        tpu.barrier barrier_id(%barrier3A_344)
        %mul3A_345 = arith.constant 16 : i32
        %mul3A_346 = arith.muli %while3A_139, %mul3A_345 : i32
        %mul3A_347 = arith.constant 16 : i32
        %mul3A_348 = arith.muli %mul3A_346, %mul3A_347 : i32
        "tpu.region"() ({
          %run_scoped3A = tpu.sem_alloc : memref<!tpu.dma_semaphore, #tpu.memory_space<semaphore_mem>>
          %dma_start3A_443 = tpu.memref_slice %arg33[%mul3A_348] : memref<512xf32, #tpu.memory_space<vmem_shared>> -> memref<256xf32, #tpu.memory_space<vmem_shared>>
          %dma_start3A_444 = tpu.memref_slice %arg33[%mul3A_348] : memref<512xf32, #tpu.memory_space<vmem_shared>> -> memref<256xf32, #tpu.memory_space<vmem_shared>>
          tpu.enqueue_dma source(%dma_start3A_444 : memref<256xf32, #tpu.memory_space<vmem_shared>>) target(%arg31 : memref<256xf32, #tpu.memory_space<vmem>>) target_semaphore(%run_scoped3A : memref<!tpu.dma_semaphore, #tpu.memory_space<semaphore_mem>>)
          %dma_wait3A_445 = tpu.memref_slice %arg33[%mul3A_348] : memref<512xf32, #tpu.memory_space<vmem_shared>> -> memref<256xf32, #tpu.memory_space<vmem_shared>>
          %dma_wait3A_446 = tpu.memref_slice %arg33[%mul3A_348] : memref<512xf32, #tpu.memory_space<vmem_shared>> -> memref<256xf32, #tpu.memory_space<vmem_shared>>
          tpu.wait_dma2 semaphore(%run_scoped3A : memref<!tpu.dma_semaphore, #tpu.memory_space<semaphore_mem>>) src(%dma_wait3A_446 : memref<256xf32, #tpu.memory_space<vmem_shared>>) dst(%arg31 : memref<256xf32, #tpu.memory_space<vmem>>)
          tpu.yield
        }) : () -> ()
        %mul3A_349 = arith.constant 16 : i32
        %mul3A_350 = vector.broadcast %mul3A_349 : i32 to vector<16xi32>
        %mul3A_351 = arith.muli %iota3A, %mul3A_350 : vector<16xi32>
        %gather3A_352 = tpu.vector_load_idx %arg31[%mul3A_351] : memref<256xf32, #tpu.memory_space<vmem>>[vector<16xi32>], vector<16xf32>,
        %add3A_353 = arith.constant 1 : i32
        %add3A_354 = vector.broadcast %add3A_353 : i32 to vector<16xi32>
        %add3A_355 = arith.addi %mul3A_351, %add3A_354 : vector<16xi32>
        %gather3A_356 = tpu.vector_load_idx %arg31[%add3A_355] : memref<256xf32, #tpu.memory_space<vmem>>[vector<16xi32>], vector<16xf32>,
        %convert_element_type3A_357 = arith.fptosi %gather3A_356 : vector<16xf32> to vector<16xi32>
        %add3A_358 = arith.constant 2 : i32
        %add3A_359 = vector.broadcast %add3A_358 : i32 to vector<16xi32>
        %add3A_360 = arith.addi %mul3A_351, %add3A_359 : vector<16xi32>
        %gather3A_361 = tpu.vector_load_idx %arg31[%add3A_360] : memref<256xf32, #tpu.memory_space<vmem>>[vector<16xi32>], vector<16xf32>,
        %add3A_362 = arith.constant 3 : i32
        %add3A_363 = vector.broadcast %add3A_362 : i32 to vector<16xi32>
        %add3A_364 = arith.addi %mul3A_351, %add3A_363 : vector<16xi32>
        %gather3A_365 = tpu.vector_load_idx %arg31[%add3A_364] : memref<256xf32, #tpu.memory_space<vmem>>[vector<16xi32>], vector<16xf32>,
        %add3A_366 = arith.constant 4 : i32
        %add3A_367 = vector.broadcast %add3A_366 : i32 to vector<16xi32>
        %add3A_368 = arith.addi %mul3A_351, %add3A_367 : vector<16xi32>
        %gather3A_369 = tpu.vector_load_idx %arg31[%add3A_368] : memref<256xf32, #tpu.memory_space<vmem>>[vector<16xi32>], vector<16xf32>,
        %reduce_max3A_370 = arith.constant true
        %reduce_max3A_371 = vector.broadcast %reduce_max3A_370 : i1 to vector<16xi1>
        %reduce_max3A_372 = tpu.scan <max>, %gather3A_352 masked %reduce_max3A_371 : vector<16xf32>, vector<16xi1> -> vector<16xf32>
        %reduce_max3A_373 = vector.extract %reduce_max3A_372[15] : f32 from vector<16xf32>
        %eq3A_374 = vector.broadcast %reduce_max3A_373 : f32 to vector<16xf32>
        %eq3A_375 = arith.cmpf oeq, %gather3A_352, %eq3A_374 : vector<16xf32>
        %jit3A_376 = arith.constant -1 : i32
        %broadcast_in_dim3A_377 = vector.broadcast %jit3A_376 : i32 to vector<16xi32>
        %select_n3A_378 = arith.select %eq3A_375, %convert_element_type3A_357, %broadcast_in_dim3A_377 : vector<16xi1>, vector<16xi32>
        %reduce_max3A_379 = arith.constant true
        %reduce_max3A_380 = vector.broadcast %reduce_max3A_379 : i1 to vector<16xi1>
        %reduce_max3A_381 = arith.constant -2147483648 : i32
        %reduce_max3A_382 = vector.broadcast %reduce_max3A_381 : i32 to vector<16xi32>
        %reduce_max3A_383 = arith.xori %select_n3A_378, %reduce_max3A_382 : vector<16xi32>
        %reduce_max3A_384 = tpu.scan <max>, %reduce_max3A_383 masked %reduce_max3A_380 : vector<16xi32>, vector<16xi1> -> vector<16xi32>
        %reduce_max3A_385 = arith.xori %reduce_max3A_384, %reduce_max3A_382 : vector<16xi32>
        %reduce_max3A_386 = vector.extract %reduce_max3A_385[15] : i32 from vector<16xi32>
        %max3A_387 = arith.constant 0 : i32
        %max3A_388 = arith.maxsi %reduce_max3A_386, %max3A_387 : i32
        %reduce_sum3A_389 = arith.constant true
        %reduce_sum3A_390 = vector.broadcast %reduce_sum3A_389 : i1 to vector<16xi1>
        %reduce_sum3A_391 = tpu.scan <sum>, %gather3A_361 masked %reduce_sum3A_390 : vector<16xf32>, vector<16xi1> -> vector<16xf32>
        %reduce_sum3A_392 = vector.extract %reduce_sum3A_391[15] : f32 from vector<16xf32>
        %reduce_sum3A_393 = arith.constant true
        %reduce_sum3A_394 = vector.broadcast %reduce_sum3A_393 : i1 to vector<16xi1>
        %reduce_sum3A_395 = tpu.scan <sum>, %gather3A_365 masked %reduce_sum3A_394 : vector<16xf32>, vector<16xi1> -> vector<16xf32>
        %reduce_sum3A_396 = vector.extract %reduce_sum3A_395[15] : f32 from vector<16xf32>
        %reduce_sum3A_397 = arith.constant true
        %reduce_sum3A_398 = vector.broadcast %reduce_sum3A_397 : i1 to vector<16xi1>
        %reduce_sum3A_399 = tpu.scan <sum>, %gather3A_369 masked %reduce_sum3A_398 : vector<16xf32>, vector<16xi1> -> vector<16xf32>
        %reduce_sum3A_400 = vector.extract %reduce_sum3A_399[15] : f32 from vector<16xf32>
        %broadcast_in_dim3A_401 = vector.broadcast %reduce_sum3A_396 : f32 to vector<16xf32>
        %gt3A_402 = arith.constant 0.000000e+00 : f32
        %gt3A_403 = vector.broadcast %gt3A_402 : f32 to vector<16xf32>
        %gt3A_404 = arith.cmpf ogt, %broadcast_in_dim3A_401, %gt3A_403 : vector<16xf32>
        %broadcast_in_dim3A_405 = vector.broadcast %reduce_sum3A_400 : f32 to vector<16xf32>
        %broadcast_in_dim3A_406 = vector.broadcast %reduce_sum3A_396 : f32 to vector<16xf32>
        %div3A_407 = arith.divf %broadcast_in_dim3A_405, %broadcast_in_dim3A_406 : vector<16xf32>
        %jit3A_408 = arith.constant 0.000000e+00 : f32
        %broadcast_in_dim3A_409 = vector.broadcast %jit3A_408 : f32 to vector<16xf32>
        %select_n3A_410 = arith.select %gt3A_404, %div3A_407, %broadcast_in_dim3A_409 : vector<16xi1>, vector<16xf32>
        %gt3A_411 = arith.constant 0.000000e+00 : f32
        %gt3A_412 = arith.cmpf ogt, %reduce_sum3A_392, %gt3A_411 : f32
        %jit3A_413 = arith.constant 0.000000e+00 : f32
        %broadcast_in_dim3A_414 = vector.broadcast %jit3A_413 : f32 to vector<16xf32>
        %select_n3A_415 = arith.select %gt3A_412, %select_n3A_334, %broadcast_in_dim3A_414 : vector<16xf32>
        %add3A_416 = arith.addf %while3A_147, %select_n3A_415 : vector<16xf32>
        %jit3A_417 = arith.constant 0.000000e+00 : f32
        %broadcast_in_dim3A_418 = vector.broadcast %jit3A_417 : f32 to vector<16xf32>
        %select_n3A_419 = arith.select %gt3A_412, %select_n3A_410, %broadcast_in_dim3A_418 : vector<16xf32>
        %add3A_420 = arith.addf %while3A_148, %select_n3A_419 : vector<16xf32>
        %jit3A_421 = arith.constant 1.000000e+00 : f32
        %jit3A_422 = arith.constant 0.000000e+00 : f32
        %broadcast_in_dim3A_423 = vector.broadcast %jit3A_421 : f32 to vector<16xf32>
        %broadcast_in_dim3A_424 = vector.broadcast %jit3A_422 : f32 to vector<16xf32>
        %select_n3A_425 = arith.select %ge3A_250, %broadcast_in_dim3A_423, %broadcast_in_dim3A_424 : vector<16xi1>, vector<16xf32>
        %add3A_426 = arith.addf %while3A_149, %select_n3A_425 : vector<16xf32>
        %broadcast_in_dim3A_427 = vector.broadcast %reduce_sum3A_396 : f32 to vector<16xf32>
        %broadcast_in_dim3A_428 = arith.constant 0.000000e+00 : f32
        %broadcast_in_dim3A_429 = vector.broadcast %broadcast_in_dim3A_428 : f32 to vector<16xf32>
        %select_n3A_430 = arith.select %gt3A_412, %broadcast_in_dim3A_427, %broadcast_in_dim3A_429 : vector<16xf32>
        %add3A_431 = arith.addf %while3A_150, %select_n3A_430 : vector<16xf32>
        %gt3A_432 = arith.constant -5.000000e+29 : f32
        %gt3A_433 = arith.cmpf ogt, %reduce_max3A_373, %gt3A_432 : f32
        %broadcast_in_dim3A_434 = vector.broadcast %max3A_388 : i32 to vector<16xi32>
        %gather3A_435 = tpu.vector_load_idx %arg13[%broadcast_in_dim3A_434] : memref<5120xf32, #tpu.memory_space<vmem>>[vector<16xi32>], vector<16xf32>,
        %gather3A_436 = tpu.vector_load_idx %arg14[%broadcast_in_dim3A_434] : memref<5120xf32, #tpu.memory_space<vmem>>[vector<16xi32>], vector<16xf32>,
        %gather3A_437 = tpu.vector_load_idx %arg15[%broadcast_in_dim3A_434] : memref<5120xf32, #tpu.memory_space<vmem>>[vector<16xi32>], vector<16xf32>,
        %gather3A_438 = tpu.vector_load_idx %arg16[%broadcast_in_dim3A_434] : memref<5120xf32, #tpu.memory_space<vmem>>[vector<16xi32>], vector<16xf32>,
        %gather3A_439 = tpu.vector_load_idx %arg17[%broadcast_in_dim3A_434] : memref<5120xf32, #tpu.memory_space<vmem>>[vector<16xi32>], vector<16xf32>,
        %gather3A_440 = tpu.vector_load_idx %arg18[%broadcast_in_dim3A_434] : memref<5120xi32, #tpu.memory_space<vmem>>[vector<16xi32>], vector<16xi32>,
        %sub3A_441 = arith.constant 1 : i32
        %sub3A_442 = arith.subi %sub3A_441, %while3A_139 : i32
        scf.yield %gt3A_433, %sub3A_442, %max3A_388, %gather3A_435, %gather3A_436, %gather3A_437, %gather3A_438, %gather3A_439, %gather3A_440, %add3A_416, %add3A_420, %add3A_426, %add3A_431 : i1, i32, i32, vector<16xf32>, vector<16xf32>, vector<16xf32>, vector<16xf32>, vector<16xf32>, vector<16xi32>, vector<16xf32>, vector<16xf32>, vector<16xf32>, vector<16xf32>
      }
      %add3A_126 = arith.constant 9.99999997E-7 : f32
      %add3A_127 = vector.broadcast %add3A_126 : f32 to vector<16xf32>
      %add3A_128 = arith.addf %while3A_125#12, %add3A_127 : vector<16xf32>
      %div3A = arith.divf %while3A_125#10, %add3A_128 : vector<16xf32>
      %add3A_129 = arith.constant 9.99999997E-7 : f32
      %add3A_130 = vector.broadcast %add3A_129 : f32 to vector<16xf32>
      %add3A_131 = arith.addf %while3A_125#11, %add3A_130 : vector<16xf32>
      %div3A_132 = arith.divf %while3A_125#9, %add3A_131 : vector<16xf32>
      %eq3A_133 = arith.constant 0 : i32
      %eq3A_134 = arith.cmpi eq, %arg1, %eq3A_133 : i32
      %convert_element_type3A_135 = arith.extui %eq3A_134 : i1 to i32
      %cond3A_136 = arith.constant 0 : i32
      %cond3A_137 = arith.cmpi ne, %convert_element_type3A_135, %cond3A_136 : i32
      scf.if %cond3A_137 {
        %eq3A_138 = arith.constant 0 : i32
        %eq3A_139 = vector.broadcast %eq3A_138 : i32 to vector<16xi32>
        %eq3A_140 = arith.cmpi eq, %iota3A, %eq3A_139 : vector<16xi32>
        %eq3A_141 = arith.constant 1 : i32
        %eq3A_142 = vector.broadcast %eq3A_141 : i32 to vector<16xi32>
        %eq3A_143 = arith.cmpi eq, %iota3A, %eq3A_142 : vector<16xi32>
        %broadcast_in_dim3A_144 = arith.constant 0.000000e+00 : f32
        %broadcast_in_dim3A_145 = vector.broadcast %broadcast_in_dim3A_144 : f32 to vector<16xf32>
        %select_n3A_146 = arith.select %eq3A_143, %div3A_132, %broadcast_in_dim3A_145 : vector<16xi1>, vector<16xf32>
        %select_n3A_147 = arith.select %eq3A_140, %div3A, %select_n3A_146 : vector<16xi1>, vector<16xf32>
        %swap3A_148 = arith.constant 0 : index
        %swap3A_149 = tpu.vector_load %arg32[%swap3A_148] {strides = array<i32>} : memref<16xf32, #tpu.memory_space<vmem>>, vector<16xf32>,
        tpu.vector_store %arg32[%swap3A_148], %select_n3A_147 {strides = array<i32>} : memref<16xf32, #tpu.memory_space<vmem>>, vector<16xf32>,
        "tpu.region"() ({
          %run_scoped3A = tpu.sem_alloc : memref<!tpu.dma_semaphore, #tpu.memory_space<semaphore_mem>>
          tpu.enqueue_dma source(%arg32 : memref<16xf32, #tpu.memory_space<vmem>>) target(%arg12 : memref<16xf32, #tpu.memory_space<hbm>>) target_semaphore(%run_scoped3A : memref<!tpu.dma_semaphore, #tpu.memory_space<semaphore_mem>>)
          tpu.wait_dma2 semaphore(%run_scoped3A : memref<!tpu.dma_semaphore, #tpu.memory_space<semaphore_mem>>) src(%arg32 : memref<16xf32, #tpu.memory_space<vmem>>) dst(%arg12 : memref<16xf32, #tpu.memory_space<hbm>>)
          tpu.yield
        }) : () -> ()
      } else {
      }
    } else {
    }
    return
  }
}

</mosaic_0001>

<sc_bundles>
// kernel: _run_sc.3.cloned.1.call-start
scs
__scs_entry_jumppad:
0x0: {  	(pc) =	sbr.rel $0x88, $3  }
0x1: {  	(tag) =	ssettag $0x0;
	lr =	simm.s32 $0x1  }
0x2: {  	[smem:$0x3F9E] =	sst lr;
	_ =	strace $0xD0000000  }
0x3: {  	_ = 	snop  }
0x4: {  	_ = 	snop  }
0x5: {  	_ = 	snop  }
0x6: {  	_ = 	snop  }
0x7: {  	_ = 	snop  }
__scs_overlays_trampoline_lowered:
0x8: {  	[smem:$0x3FAD] =	sst s0  }
0x9: {  	[smem:$0x3FAE] =	sst s1  }
0xa: {  	[smem:$0x3FAF] =	sst s2  }
0xb: {  	[smem:$0x3FB0] =	sst s3  }
0xc: {  	[smem:$0x3FB1] =	sst s4  }
0xd: {  	[smem:$0x3FB2] =	sst s5  }
0xe: {  	[smem:$0x3FB3] =	sst s6  }
0xf: {  	[smem:$0x3FB4] =	sst s7  }
0x10: {  	[smem:$0x3FB5] =	sst s8  }
0x11: {  	[smem:$0x3FB6] =	sst s9;
	s0 =	simm.s32 @!p0 $0x0  }
0x12: {  	s1 =	sld [smem:$0x3F9C];
	s0 =	simm.s32 @p0 $0x1  }
0x13: {  	[smem:$0x3FB7] =	sst s0;
	s0 =	simm.s32 @!p1 $0x0  }
0x14: {  	s2 =	sld [smem:$0x3F9B];
	s0 =	simm.s32 @p1 $0x1  }
0x15: {  	[smem:$0x3FB8] =	sst s0;
	s0 =	simm.s32 @!p2 $0x0  }
0x16: {  	s3 =	sld [smem:$0x3FDB];
	s0 =	simm.s32 @p2 $0x1  }
0x17: {  	s4 =	simm.s32 $0x1BF5;
	[smem:$0x3FBA] =	sst s0  }
0x18: {  	s0 =	sld [smem:$0x3F9D];
	_ =	swait.ge [sflag:s4], $0x0  }
0x19: {  	s7 =	sld [smem:$0x3F9E]  }
0x1a: {  	s8 =	sadd.s32 $0xFFFFE003, lr  }
0x1b: {  	s9 =	sadd.s32 $0xFFFFFEF7, lr;
	s5 =	simm.s32 $0xFFFFFFFF;
	p2 =	slt.u32 s8, $0xFFFFF086  }
0x1c: {  	p1 =	slt.u32 s9, $0xF7A;
	s5 =	simm.s32 @!p2 $0x0  }
0x1d: {  	s5 =	simm.s32 @p1 $0x1;
	p0 =	seq.s32 s7, s2  }
0x1e: {  	s7 =	smul.u32 @!p0 $0xF7A, s2;
	p2 =	seq.s32 @!p0 s5, $0x0  }
0x1f: {  	s9 =	smul.u32 $0xF7A, s1;
	s8 =	simm.s32 @!p0 $0x1BF5;
	p2 =	por !p2, p0  }
0x20: {  	[sflag:s8] =	ssyncset.s32 @!p0 $0xFFFFF086;
	s6 =	sadd.s32 @!p0 s3, s7;
	s7 =	simm.s32 @!p0 $0x108  }
0x21: {  	s3 =	sadd.s32 s3, s9;
	s6 =	sadd.s32 @!p0 $0x88, s6;
	s7 =	simm.s32 @p2 $0x1082  }
0x22: {  	[simem:s7], [sflag:s8] =	dma.local @!p0 [hbm:s6], $0xF7A  }
0x23: {  	s9 =	sor.u32 $0xD0000000, s2;
	s6 =	simm.s32 $0x108;
	_ =	swait.ge @!p0 [sflag:s8], $0x0  }
0x24: {  	s3 =	sadd.s32 $0x88, s3;
	s6 =	simm.s32 @!p1 $0x1082;
	[sflag:s4] =	ssyncset.s32 $0xFFFFF086  }
0x25: {  	[simem:s6], [sflag:s4] =	dma.local [hbm:s3], $0xF7A  }
0x26: {  	[smem:$0x3F9E] =	sst s1;
	(tag) =	ssettag s2;
	_ =	strace s9  }
0x27: {  	s1 =	sld [smem:$0x3FAE]  }
0x28: {  	s2 =	sld [smem:$0x3FAF]  }
0x29: {  	s4 =	sld [smem:$0x3FB1]  }
0x2a: {  	p0 =	seq.s32 s5, $0x0;
	s5 =	sld [smem:$0x3FB2]  }
0x2b: {  	s6 =	sld [smem:$0x3FB3]  }
0x2c: {  	s7 =	sld [smem:$0x3FB4]  }
0x2d: {  	s3 =	simm.s32 $0x108;
	s8 =	sld [smem:$0x3FB5]  }
0x2e: {  	s3 =	simm.s32 @!p0 $0x1082;
	s9 =	sld [smem:$0x3FB6]  }
0x2f: {  	lr =	sadd.s32 s0, s3;
	s0 =	sld [smem:$0x3FAD]  }
0x30: {  	s3 =	sld [smem:$0x3FB0]  }
0x31: {  	[smem:$0x3FB9] =	sst s10  }
0x32: {  	s10 =	sld [smem:$0x3FB7];
	_ =	sdelay $0x3  }
0x33: {  	p0 =	seq.s32 s10, $0x1;
	s10 =	sld [smem:$0x3FB9];
	_ =	sdelay $0x3  }
0x34: {  	[smem:$0x3FB9] =	sst s10  }
0x35: {  	s10 =	sld [smem:$0x3FB8];
	_ =	sdelay $0x3  }
0x36: {  	p1 =	seq.s32 s10, $0x1;
	s10 =	sld [smem:$0x3FB9];
	_ =	sdelay $0x3  }
0x37: {  	[smem:$0x3FB9] =	sst s10  }
0x38: {  	s10 =	sld [smem:$0x3FBA]  }
0x39: {  	_ = 	snop;
	(pc) =	sbr.ind lr, $3  }
0x3a: {  	_ = 	snop  }
0x3b: {  	_ = 	snop  }
0x3c: {  	p2 =	seq.s32 s10, $0x1;
	s10 =	sld [smem:$0x3FB9]  }
0x3d: {  	_ =	shalt  }
0x3e: {  	_ =	shalt  }
0x3f: {  	_ =	shalt  }
0x40: {  	_ =	shalt  }
0x41: {  	_ =	shalt  }
0x42: {  	_ =	shalt  }
0x43: {  	_ =	shalt  }
0x44: {  	_ =	shalt  }
0x45: {  	_ =	shalt  }
0x46: {  	_ =	shalt  }
0x47: {  	_ =	shalt  }
0x48: {  	_ =	shalt  }
0x49: {  	_ =	shalt  }
0x4a: {  	_ =	shalt  }
0x4b: {  	_ =	shalt  }
0x4c: {  	_ =	shalt  }
0x4d: {  	_ =	shalt  }
0x4e: {  	_ =	shalt  }
0x4f: {  	_ =	shalt  }
0x50: {  	_ =	shalt  }
0x51: {  	_ =	shalt  }
0x52: {  	_ =	shalt  }
0x53: {  	_ =	shalt  }
0x54: {  	_ =	shalt  }
0x55: {  	_ =	shalt  }
0x56: {  	_ =	shalt  }
0x57: {  	_ =	shalt  }
0x58: {  	_ =	shalt  }
0x59: {  	_ =	shalt  }
0x5a: {  	_ =	shalt  }
0x5b: {  	_ =	shalt  }
0x5c: {  	_ =	shalt  }
0x5d: {  	_ =	shalt  }
0x5e: {  	_ =	shalt  }
0x5f: {  	_ =	shalt  }
0x60: {  	_ =	shalt  }
0x61: {  	_ =	shalt  }
0x62: {  	_ =	shalt  }
0x63: {  	_ =	shalt  }
0x64: {  	_ =	shalt  }
0x65: {  	_ =	shalt  }
0x66: {  	_ =	shalt  }
0x67: {  	_ =	shalt  }
0x68: {  	_ =	shalt  }
0x69: {  	_ =	shalt  }
0x6a: {  	_ =	shalt  }
0x6b: {  	_ =	shalt  }
0x6c: {  	_ =	shalt  }
0x6d: {  	_ =	shalt  }
0x6e: {  	_ =	shalt  }
0x6f: {  	_ =	shalt  }
0x70: {  	_ =	shalt  }
0x71: {  	_ =	shalt  }
0x72: {  	_ =	shalt  }
0x73: {  	_ =	shalt  }
0x74: {  	_ =	shalt  }
0x75: {  	_ =	shalt  }
0x76: {  	_ =	shalt  }
0x77: {  	_ =	shalt  }
0x78: {  	_ =	shalt  }
0x79: {  	_ =	shalt  }
0x7a: {  	_ =	shalt  }
0x7b: {  	_ =	shalt  }
0x7c: {  	_ =	shalt  }
0x7d: {  	_ =	shalt  }
0x7e: {  	_ =	shalt  }
0x7f: {  	_ =	shalt  }
0x80: {  	_ =	shalt  }
0x81: {  	_ =	shalt  }
0x82: {  	_ =	shalt  }
0x83: {  	_ =	shalt  }
0x84: {  	_ =	shalt  }
0x85: {  	_ =	shalt  }
0x86: {  	_ =	shalt  }
0x87: {  	_ =	shalt  }
.Lfunc_end0:
.L_simem_size_0:
called_computation_lowered:
.L_overlay_start_0:
0x88: {  	s2 =	sld [smem:$0x3FD9]  }
0x89: {  	s3 =	sld [smem:$0x3FFE];
	_ =	sdelay $0x1  }
0x8a: {  	s1 =	srdreg.scid  }
0x8b: {  	s0 =	sand.u32 $0x1, s1  }
0x8c: {  	s14 =	sshll.u32 s0, $0xA;
	s2 =	sadd.s32 s3, s2  }
0x8d: {  	s2 =	sadd.s32 s2, s14  }
0x8e: {  	[smem:$0x3FC5] =	sst s2  }
0x8f: {  	_ = 	snop  }
0x90: {  	s2 =	sld [smem:$0x3FD0];
	_ =	sdelay $0x2  }
0x91: {  	s15 =	simm.s32 $0xA;
	s4 =	simm.s32 $0x10  }
0x92: {  	[smem:s4], [sflag:s15] =	dma.local [hbm:s2], $0x1  }
0x93: {  	_ =	swait.eq [sflag:s15], $0x1  }
0x94: {  	[sflag:s15] =	ssyncset.done $0x0  }
0x95: {  	s16 =	sld [smem:$0x10];
	[sflag:s15] =	ssyncadd.s32 $0xFFFFFFFF  }
0x96: {  	s17 =	sld [smem:$0x11];
	(tm) =	ssettm $0x1  }
0x97: {  	s18 =	sld [smem:$0x3FFB];
	_ =	sdelay $0x3  }
0x98: {  	_ =	strace s18  }
0x99: {  	s4 =	sld [smem:$0x3FFC];
	_ =	sdelay $0x3  }
0x9a: {  	_ =	strace s4  }
0x9b: {  	s4 =	sld [smem:$0x3FFD];
	_ =	sdelay $0x3  }
0x9c: {  	_ =	strace s4  }
0x9d: {  	_ =	strace $0x8FFFFFFF  }
0x9e: {  	s19 =	sld [smem:$0x3FDB];
	_ =	sdelay $0x1  }
0x9f: {  	s5 =	simm.s32 $_scs_section_size  }
0xa0: {  	s6 =	simm.s32 $_size__tile_overlayer_lowered;
	s7 =	simm.s32 $_tile_overlayer_lowered  }
0xa1: {  	s22 =	simm.s32 $0x1BFF;
	s21 =	sshll.u32 s7, $0x1;
	s4 =	sadd.s32 s5, s19  }
0xa2: {  	s8 =	simm.s32 $0x0;
	s20 =	sshll.u32 s6, $0x1;
	s6 =	sadd.s32 s21, s4  }
0xa3: {  	[timem:s8], [sflag:s22] =	dma.local [hbm:s6], s20  }
0xa4: {  	_ =	swait.ge [sflag:s22], s20  }
0xa5: {  	s5 =	ssub.s32 $0x0, s20;
	[sflag:s22] =	ssyncset.done $0x0  }
0xa6: {  	[sflag:s22] =	ssyncadd.s32 s5;
	_ =	sdelay $0x1  }
0xa7: {  	s23 =	simm.s32 $0x1B8B  }
0xa8: {  	_ =	swait.ge [sflag:s23], $0x1  }
0xa9: {  	[sflag:s23] =	ssyncset.done $0x0  }
0xaa: {  	s25 =	simm.s32 $0x1B8E;
	s24 =	sld [smem:$0x3FFE];
	[sflag:s23] =	ssyncadd.s32 $0xFFFFFFFF  }
0xab: {  	s26 =	simm.s32 $execute0_lowered;
	[smem:$0x3FD2] =	sst s25  }
0xac: {  	s6 =	sshll.u32 s26, $0x1;
	_ =	strace $0x80000046;
	[dreg:$0x1] =	wrdreg $0xFFFFFFFF  }
0xad: {  	s28 =	simm.s32 $_size_execute0_lowered;
	s4 =	sadd.s32 s4, s6;
	[dreg:$0x0] =	wrdreg $0x0  }
0xae: {  	s6 =	sshll.u32 s28, $0x1;
	[dreg:$0x2] =	wrdreg s4  }
0xaf: {  	[dreg:$0x3] =	wrdreg s6  }
0xb0: {  	[dreg:$0x4] =	wrdreg $0xC0  }
0xb1: {  	_ =	task [dreg:s8], $0x5FFFF  }
0xb2: {  	[dreg:$0x1] =	wrdreg $0xFFFFFFFF  }
0xb3: {  	[dreg:$0x0] =	wrdreg $0x60  }
0xb4: {  	[dreg:$0x2] =	wrdreg s24  }
0xb5: {  	[dreg:$0x3] =	wrdreg s17  }
0xb6: {  	[dreg:$0x4] =	wrdreg s16  }
0xb7: {  	[dreg:$0x5] =	wrdreg $0xF4800  }
0xb8: {  	[dreg:$0x6] =	wrdreg $0x9  }
0xb9: {  	_ =	task.clear_ibuf [dreg:s8], $0x7FFFF;
	_ =	strace $0x90000046  }
0xba: {  	s29 =	simm.s32 $0x9;
	_ =	strace $0x80000048  }
0xbb: {  	_ =	swait.ge [sflag:s29], $0x1  }
0xbc: {  	[sflag:s29] =	ssyncadd.s32 $0xFFFFFFFF  }
0xbd: {  	_ =	strace $0x90000048  }
0xbe: {  	_ =	sfence  }
0xbf: {  	s30 =	sld [smem:$0x0];
	_ =	sdelay $0x2  }
0xc0: {  	s31 =	sshll.u32 s1, $0xD;
	s1 =	sshrl.u32 s1, $0x2  }
0xc1: {  	s3 =	sand.u32 $0x4000, s31;
	s1 =	sadd.s32 s1, s30  }
0xc2: {  	s0 =	sor.u32 s3, s0;
	s1 =	sshll.u32 s1, $0x11  }
0xc3: {  	s0 =	sor.u32 s1, s0  }
0xc4: {  	s0 =	sadd.s32 $0x8F2B, s0  }
0xc5: {  	[sflag:s0] =	ssyncadd.remote.s32 $0x1  }
0xc6: {  	_ =	sfence.sel $0xFFFF  }
0xc7: {  	[dreg:$0x0] =	wrdreg $0xFFFFFFFF;
	(pc) =	sbr.abs _section_cstart, $3  }
0xc8: {  	[dreg:$0x1] =	wrdreg $0xFFFFFFFF  }
0xc9: {  	_ =	task.clear_ibuf [dreg:s8], $0x2FFFF;
	_ =	strace $0x9FFFFFFF  }
0xca: {  	(tm) =	ssettm $0x7FFFFFFF  }
0xcb: {  	_ =	shalt  }
tec
execute0_lowered:
.L_overlay_start_1:
0x0: {  	(tag) =	ssettag $0x1  }
0x1: {  	s1 =	srdreg.scid  }
0x2: {  	s1 =	sand.u32 $0x1, s1  }
0x3: {  	p0 =	seq.s32 s1, $0x1  }
.Ltmp0:
0x4: {  	s0 =	rddreg [dreg:$0x0];
	(pc) =	sbr.rel @p0 .LBB2_11-.Ltmp0, $4  }
0x5: {  	s4 =	rddreg [dreg:$0x1]  }
0x6: {  	s2 =	rddreg [dreg:$0x2]  }
0x7: {  	s25 =	rddreg [dreg:$0x3]  }
0x8: {  	s23 =	rddreg [dreg:$0x4];
	_ =	strace $0x80000047;
	s24 =	stileid.u32  }
0x9: {  	s1 =	sadd.s32 $0x2000, s0;
	s5 =	simm.s32 $0x0;
	s6 =	simm.s32 $0x2  }
0xa: {  	[tilespmem:s5], [sflag:$0x2] =	stream.linear.gather [hbm4b:s1+s5], $0x1400, $0x38;
	[tilespmem:$0xF4A0] =	vst v63  }
0xb: {  	_ =	swait.ge [sflag:s6], $0x1400  }
0xc: {  	[sflag:s6] =	ssyncset.done $0x0  }
0xd: {  	s19 =	sadd.s32 $0x1400, s0;
	s3 =	simm.s32 $0x1400;
	[sflag:s6] =	ssyncadd.s32 $0xFFFFEC00  }
0xe: {  	[tilespmem:s3], [sflag:$0x2] =	stream.linear.gather [hbm4b:s19+s5], $0x1400, $0x38;
	[tilespmem:$0xF4A0] =	vst v63  }
0xf: {  	_ =	swait.ge [sflag:s6], $0x1400  }
0x10: {  	[sflag:s6] =	ssyncset.done $0x0  }
0x11: {  	s20 =	sadd.s32 $0x1800, s0;
	s21 =	simm.s32 $0x2800;
	[sflag:s6] =	ssyncadd.s32 $0xFFFFEC00  }
0x12: {  	[tilespmem:s21], [sflag:$0x2] =	stream.linear.gather [hbm4b:s20+s5], $0x1400, $0x38;
	[tilespmem:$0xF4A0] =	vst v63  }
0x13: {  	_ =	swait.ge [sflag:s6], $0x1400  }
0x14: {  	[sflag:s6] =	ssyncset.done $0x0  }
0x15: {  	s22 =	sadd.s32 $0x1C00, s0;
	s11 =	simm.s32 $0x3C00;
	[sflag:s6] =	ssyncadd.s32 $0xFFFFEC00  }
0x16: {  	[tilespmem:s11], [sflag:$0x2] =	stream.linear.gather [hbm4b:s22+s5], $0x1400, $0x38;
	[tilespmem:$0xF4A0] =	vst v63  }
0x17: {  	_ =	swait.ge [sflag:s6], $0x1400  }
0x18: {  	[sflag:s6] =	ssyncset.done $0x0  }
0x19: {  	s7 =	sadd.s32 $0x1000, s0;
	s26 =	simm.s32 $0x5000;
	[sflag:s6] =	ssyncadd.s32 $0xFFFFEC00  }
0x1a: {  	[tilespmem:s26], [sflag:$0x2] =	stream.linear.gather [hbm4b:s7+s5], $0x1400, $0x38;
	[tilespmem:$0xF4A0] =	vst v63  }
0x1b: {  	_ =	swait.ge [sflag:s6], $0x1400  }
0x1c: {  	[sflag:s6] =	ssyncset.done $0x0  }
0x1d: {  	s28 =	sadd.s32 $0x2400, s0;
	s12 =	simm.s32 $0x6400;
	[sflag:s6] =	ssyncadd.s32 $0xFFFFEC00  }
0x1e: {  	[tilespmem:s12], [sflag:$0x2] =	stream.linear.gather [hbm4b:s28+s5], $0x1400, $0x38;
	[tilespmem:$0xF4A0] =	vst v63  }
0x1f: {  	_ =	swait.ge [sflag:s6], $0x1400  }
0x20: {  	[sflag:s6] =	ssyncset.done $0x0  }
0x21: {  	s29 =	sadd.s32 $0xE00, s0;
	s10 =	simm.s32 $0xF000;
	[sflag:s6] =	ssyncadd.s32 $0xFFFFEC00  }
0x22: {  	[tilespmem:s10], [sflag:$0x2] =	stream.linear.gather [hbm4b:s29+s5], $0x80, $0x38;
	[tilespmem:$0xF4A0] =	vst v63  }
0x23: {  	_ =	swait.ge [sflag:s6], $0x80  }
0x24: {  	[sflag:s6] =	ssyncset.done $0x0  }
0x25: {  	s9 =	simm.s32 $0xF080;
	[sflag:s6] =	ssyncadd.s32 $0xFFFFFF80  }
0x26: {  	[tilespmem:s9], [sflag:$0x2] =	stream.linear.gather [hbm4b:s4+s5], $0x80, $0x38;
	[tilespmem:$0xF4A0] =	vst v63  }
0x27: {  	_ =	swait.ge [sflag:s6], $0x80  }
0x28: {  	[sflag:s6] =	ssyncset.done $0x0  }
0x29: {  	s30 =	sadd.s32 $0xC00, s0;
	s8 =	simm.s32 $0xF100;
	[sflag:s6] =	ssyncadd.s32 $0xFFFFFF80  }
0x2a: {  	[tilespmem:s8], [sflag:$0x2] =	stream.linear.gather [hbm4b:s30+s5], $0x80, $0x38;
	[tilespmem:$0xF4A0] =	vst v63  }
0x2b: {  	_ =	swait.ge [sflag:s6], $0x80  }
0x2c: {  	[sflag:s6] =	ssyncset.done $0x0  }
0x2d: {  	s7 =	simm.s32 $0xF180;
	[sflag:s6] =	ssyncadd.s32 $0xFFFFFF80  }
0x2e: {  	[tilespmem:s7], [sflag:$0x2] =	stream.linear.gather [hbm4b:s2+s5], $0x80, $0x38;
	[tilespmem:$0xF4A0] =	vst v63  }
0x2f: {  	_ =	swait.ge [sflag:s6], $0x80  }
0x30: {  	[sflag:s6] =	ssyncset.done $0x0  }
0x31: {  	v1 =	vimm.s32 $0xFFFFFFFF;
	[sflag:s6] =	ssyncadd.s32 $0xFFFFFF80  }
0x32: {  	s31 =	smul.u32 $0x500, s24;
	[tilespmem:$0xF200] =	vst v1  }
0x33: {  	[tilespmem:$0xF210] =	vst v1  }
0x34: {  	s2 =	sshrl.u32 s31, $0x2;
	[tilespmem:$0xF220] =	vst v1  }
0x35: {  	v0 =	vmov s2;
	[tilespmem:$0xF230] =	vst v1  }
0x36: {  	[tilespmem:$0xF240] =	vst v1  }
0x37: {  	[tilespmem:$0xF250] =	vst v1  }
0x38: {  	[tilespmem:$0xF260] =	vst v1  }
0x39: {  	s4 =	simm.s32 $0x10;
	[tilespmem:$0xF270] =	vst v1  }
0x3a: {  	s5 =	simm.s32 $0x1410;
	v2 =	vld.idx.msk [tilespmem:v0+s4+$0xFFFFFFF0 ss:$0x1], $0xffff  }
0x3b: {  	v3 =	vld.idx.msk [tilespmem:v0+s5+$0xFFFFFFF0 ss:$0x1], $0xffff  }
0x3c: {  	v4 =	vld.idx.msk [tilespmem:v0+s21+$0x0 ss:$0x1], $0xffff  }
0x3d: {  	v5 =	vld.idx.msk [tilespmem:v0+s11+$0x0 ss:$0x1], $0xffff  }
0x3e: {  	v6 =	vld.idx.msk [tilespmem:v0+s4+$0x0 ss:$0x1], $0xffff  }
0x3f: {  	v7 =	vld.idx.msk [tilespmem:v0+s5+$0x0 ss:$0x1], $0xffff  }
0x40: {  	v8 =	vld.idx.msk [tilespmem:v0+s21+$0x10 ss:$0x1], $0xffff  }
0x41: {  	v9 =	vld.idx.msk [tilespmem:v0+s11+$0x10 ss:$0x1], $0xffff  }
0x42: {  	s6 =	simm.s32 $0x30;
	v10 =	vld.idx.msk [tilespmem:v0+s12+$0x0 ss:$0x1], $0xffff  }
0x43: {  	s13 =	simm.s32 $0x2820;
	v11 =	vld.idx.msk [tilespmem:v0+s6+$0xFFFFFFF0 ss:$0x1], $0xffff  }
0x44: {  	v13 =	vld.idx.msk [tilespmem:v0+s13+$0x0 ss:$0x1], $0xffff  }
0x45: {  	v14 =	vld.idx.msk [tilespmem:v0+s26+$0x0 ss:$0x1], $0xffff  }
0x46: {  	s16 =	simm.s32 $0x50;
	v15 =	vld.idx.msk [tilespmem:v0+s26+$0x10 ss:$0x1], $0xffff  }
0x47: {  	s19 =	simm.s32 $0x2840;
	v18 =	vld.idx.msk [tilespmem:v0+s16+$0xFFFFFFF0 ss:$0x1], $0xffff  }
0x48: {  	v20 =	vld.idx.msk [tilespmem:v0+s19+$0x0 ss:$0x1], $0xffff  }
0x49: {  	s20 =	simm.s32 $0x6420;
	v2 =	vsub.f32 v4, v2;
	v4 =	vld.idx.msk [tilespmem:v0+s12+$0x10 ss:$0x1], $0xffff  }
0x4a: {  	v21 =	vld.idx.msk [tilespmem:v0+s20+$0x0 ss:$0x1], $0xffff;
	v3 =	vsub.f32 v5, v3  }
0x4b: {  	v23 =	vld.idx.msk [tilespmem:v0+s20+$0x10 ss:$0x1], $0xffff;
	vm0 =	vgt.s32 v10, $0x0  }
0x4c: {  	s17 =	simm.s32 $0x1450;
	v25 =	vld.idx.msk [tilespmem:v0+s16+$0x0 ss:$0x1], $0xffff;
	v16 =	vnsel vm0, $0x0, v10;
	v2 =	vadd.f32 $1.000000000e+00, v2;
	v3 =	vadd.f32 $1.000000000e+00, v3  }
0x4d: {  	s11 =	simm.s32 $0x1430;
	v26 =	vld.idx.msk [tilespmem:v0+s17+$0x0 ss:$0x1], $0xffff;
	v6 =	vsub.f32 v8, v6;
	v7 =	vsub.f32 v9, v7  }
0x4e: {  	s14 =	simm.s32 $0x3C20;
	v12 =	vld.idx.msk [tilespmem:v0+s11+$0xFFFFFFF0 ss:$0x1], $0xffff;
	v2 =	vmul.f32 v3, v2;
	vm0 =	vgt.s32 v4, $0x0  }
0x4f: {  	s15 =	simm.s32 $0x8C00;
	v5 =	vld.idx.msk [tilespmem:v0+s14+$0x0 ss:$0x1], $0xffff;
	v6 =	vadd.f32 $1.000000000e+00, v6;
	v7 =	vadd.f32 $1.000000000e+00, v7;
	v17 =	vnsel vm0, $0x0, v4  }
0x50: {  	v8 =	vld.idx.msk [tilespmem:v0+s11+$0x0 ss:$0x1], $0xffff;
	[tilespmem:v0+s15+$0x0 ss:$0x1] =	vst.idx.msk $0xffff, v2  }
0x51: {  	v6 =	vmul.f32 v7, v6;
	v2 =	vld.idx.msk [tilespmem:v16+s10+$0x0], $0xffff  }
0x52: {  	v9 =	vld.idx.msk [tilespmem:v0+s13+$0x10 ss:$0x1], $0xffff  }
0x53: {  	v7 =	vld.idx.msk [tilespmem:v0+s14+$0x10 ss:$0x1], $0xffff;
	[tilespmem:v0+s15+$0x10 ss:$0x1] =	vst.idx.msk $0xffff, v6  }
0x54: {  	v19 =	vld.idx.msk [tilespmem:v17+s10+$0x0], $0xffff  }
0x55: {  	s18 =	simm.s32 $0xA000;
	s21 =	simm.s32 $0x5020;
	v11 =	vsub.f32 v13, v11;
	v3 =	vld.idx.msk [tilespmem:v0+s6+$0x0 ss:$0x1], $0xffff;
	v5 =	vsub.f32 v5, v12  }
0x56: {  	v22 =	vld.idx.msk [tilespmem:v0+s21+$0x0 ss:$0x1], $0xffff;
	[tilespmem:v0+s18+$0x0 ss:$0x1] =	vst.idx.msk $0xffff, v2  }
0x57: {  	s26 =	simm.s32 $0x3C40;
	v11 =	vadd.f32 $1.000000000e+00, v11;
	v5 =	vadd.f32 $1.000000000e+00, v5;
	v2 =	vld.idx.msk [tilespmem:v16+s9+$0x0], $0xffff  }
0x58: {  	v12 =	vld.idx.msk [tilespmem:v0+s26+$0x0 ss:$0x1], $0xffff  }
0x59: {  	v6 =	vld.idx.msk [tilespmem:v0+s17+$0xFFFFFFF0 ss:$0x1], $0xffff;
	v7 =	vsub.f32 v7, v8;
	v5 =	vmul.f32 v5, v11;
	[tilespmem:v0+s18+$0x10 ss:$0x1] =	vst.idx.msk $0xffff, v19  }
0x5a: {  	s28 =	smul.u32 $0x140, s24;
	s29 =	simm.s32 $0x8C20;
	vm1 =	vgt.s32 v23, $0x0;
	vm0 =	vgt.s32 v21, $0x0;
	v3 =	vsub.f32 v9, v3;
	v24 =	vld.idx.msk [tilespmem:v17+s9+$0x0], $0xffff  }
0x5b: {  	s22 =	simm.s32 $0xB400;
	v9 =	vld.idx.msk [tilespmem:v0+s19+$0x10 ss:$0x1], $0xffff;
	v8 =	vimm.f32 $-1.000000020e+30;
	v7 =	vadd.f32 $1.000000000e+00, v7;
	[tilespmem:v0+s29+$0x0 ss:$0x1] =	vst.idx.msk $0xffff, v5;
	v5 =	vlaneseq.u32  }
0x5c: {  	s5 =	sor.u32 $0x10, s28;
	v11 =	vld.idx.msk [tilespmem:v0+s26+$0x10 ss:$0x1], $0xffff;
	[tilespmem:v0+s22+$0x0 ss:$0x1] =	vst.idx.msk $0xffff, v2;
	v2 =	vnsel vm0, $0x0, v21;
	vm0 =	vgt.s32 v10, $0xFFFFFFFF;
	v10 =	vadd.f32 $1.000000000e+00, v3  }
0x5d: {  	s4 =	sadd.s32 $0xFFFFFFF0, s5;
	v3 =	vnsel vm1, $0x0, v23;
	vm1 =	vgt.s32 v4, $0xFFFFFFFF;
	v13 =	vld.idx.msk [tilespmem:v16+s8+$0x0], $0xffff;
	v4 =	vnsel vm0, $0xF149F2CA, v14  }
0x5e: {  	s13 =	simm.s32 $0x70;
	v19 =	vld.idx.msk [tilespmem:v0+s21+$0x10 ss:$0x1], $0xffff;
	v7 =	vmul.f32 v7, v10;
	v10 =	vor.u32 s4, v5;
	vm2 =	vge.f32 v4, v8  }
0x5f: {  	s14 =	simm.s32 $0x1470;
	v1 =	vsel vm2, v10, v1;
	v10 =	vld.idx.msk [tilespmem:v0+s13+$0xFFFFFFF0 ss:$0x1], $0xffff;
	[tilespmem:v0+s22+$0x10 ss:$0x1] =	vst.idx.msk $0xffff, v24  }
0x60: {  	[tilespmem:v0+s29+$0x10 ss:$0x1] =	vst.idx.msk $0xffff, v7;
	v7 =	vld.idx.msk [tilespmem:v0+s14+$0xFFFFFFF0 ss:$0x1], $0xffff  }
0x61: {  	s1 =	simm.s32 $0xC800;
	v18 =	vsub.f32 v20, v18;
	v4 =	vsel vm2, v4, v8;
	v8 =	vnsel vm1, $0xF149F2CA, v15;
	v24 =	vld.idx.msk [tilespmem:v17+s8+$0x0], $0xffff  }
0x62: {  	v15 =	vor.u32 s5, v5;
	vm2 =	vge.f32 v8, v4;
	[tilespmem:v0+s1+$0x0 ss:$0x1] =	vst.idx.msk $0xffff, v13;
	v13 =	vld.idx.msk [tilespmem:v2+s10+$0x0], $0xffff  }
0x63: {  	v15 =	vsel vm2, v15, v1;
	v14 =	vld.idx.msk [tilespmem:v16+s7+$0x0], $0xffff;
	v16 =	vsel vm2, v8, v4;
	vm2 =	vgt.s32 v21, $0xFFFFFFFF  }
0x64: {  	s16 =	simm.s32 $0x2860;
	v6 =	vsub.f32 v12, v6;
	v1 =	vimm.s32 $0x0;
	v27 =	vld.idx.msk [tilespmem:v3+s10+$0x0], $0xffff;
	v12 =	vnsel vm2, $0xF149F2CA, v22  }
0x65: {  	v9 =	vsub.f32 v9, v25;
	s18 =	simm.s32 $0x5040;
	v20 =	vsel vm0, $0x1, v1;
	v8 =	vld.idx.msk [tilespmem:v0+s16+$0x0 ss:$0x1], $0xffff;
	vm0 =	vge.f32 v12, v16  }
0x66: {  	v11 =	vsub.f32 v11, v26;
	[tilespmem:v0+s1+$0x10 ss:$0x1] =	vst.idx.msk $0xffff, v24;
	v12 =	vsel vm0, v12, v16;
	v16 =	vld.idx.msk [tilespmem:v0+s18+$0x0 ss:$0x1], $0xffff  }
0x67: {  	s30 =	sadd.s32 $0x20, s5;
	s11 =	simm.s32 $0xA020;
	s17 =	simm.s32 $0x6440;
	v6 =	vadd.f32 $1.000000000e+00, v6;
	v9 =	vadd.f32 $1.000000000e+00, v9;
	v17 =	vld.idx.msk [tilespmem:v17+s7+$0x0], $0xffff  }
0x68: {  	s31 =	sadd.s32 $0xFFFFFFF0, s30;
	v11 =	vadd.f32 $1.000000000e+00, v11;
	[tilespmem:v0+s11+$0x0 ss:$0x1] =	vst.idx.msk $0xffff, v13;
	v13 =	vadd.f32 $1.000000000e+00, v18;
	v18 =	vld.idx.msk [tilespmem:v0+s17+$0x0 ss:$0x1], $0xffff  }
0x69: {  	s2 =	simm.s32 $0xDC00;
	v21 =	vsel vm1, $0x1, v1;
	vm1 =	vgt.s32 v23, $0xFFFFFFFF;
	v23 =	vor.u32 s31, v5;
	[tilespmem:v0+s11+$0x10 ss:$0x1] =	vst.idx.msk $0xffff, v27;
	v22 =	vld.idx.msk [tilespmem:v2+s9+$0x0], $0xffff  }
0x6a: {  	s3 =	simm.s32 $0x7800;
	v9 =	vmul.f32 v11, v9;
	v63 =	vld.idx.msk [tilespmem:v3+s9+$0x0], $0xffff;
	[tilespmem:v0+s2+$0x0 ss:$0x1] =	vst.idx.msk $0xffff, v14;
	v14 =	vsel vm0, v23, v15  }
0x6b: {  	s15 =	simm.s32 $0x8C40;
	v15 =	vnsel vm1, $0xF149F2CA, v19;
	v6 =	vmul.f32 v6, v13;
	[tilespmem:v0+s3+$0x0 ss:$0x1] =	vst.idx.msk $0xffff, v20;
	v13 =	vld.idx.msk [tilespmem:v0+s17+$0x10 ss:$0x1], $0xffff  }
0x6c: {  	s20 =	simm.s32 $0x3C60;
	v4 =	vsel vm2, $0x1, v1;
	v19 =	vor.u32 s30, v5;
	v23 =	vld.idx.msk [tilespmem:v0+s18+$0x10 ss:$0x1], $0xffff;
	vm0 =	vge.f32 v15, v12;
	[tilespmem:v0+s15+$0x10 ss:$0x1] =	vst.idx.msk $0xffff, v9  }
0x6d: {  	s12 =	simm.s32 $0xB420;
	v20 =	vsel vm0, v15, v12;
	v19 =	vsel vm0, v19, v14;
	v14 =	vld.idx.msk [tilespmem:v0+s20+$0x0 ss:$0x1], $0xffff;
	[tilespmem:v0+s15+$0x0 ss:$0x1] =	vst.idx.msk $0xffff, v6  }
0x6e: {  	s19 =	sadd.s32 $0x20, s30;
	v15 =	vld.idx.msk [tilespmem:v0+s13+$0x0 ss:$0x1], $0xffff;
	v6 =	vsel vm1, $0x1, v1;
	vm0 =	vgt.s32 v18, $0x0;
	vm1 =	vgt.s32 v18, $0xFFFFFFFF;
	[tilespmem:v0+s12+$0x0 ss:$0x1] =	vst.idx.msk $0xffff, v22  }
0x6f: {  	s6 =	sadd.s32 $0xFFFFFFF0, s19;
	[tilespmem:v0+s2+$0x10 ss:$0x1] =	vst.idx.msk $0xffff, v17;
	v11 =	vnsel vm0, $0x0, v18;
	v9 =	vsel vm1, $0x1, v1;
	v18 =	vnsel vm1, $0xF149F2CA, v16;
	v12 =	vld.idx.msk [tilespmem:v2+s8+$0x0], $0xffff  }
0x70: {  	v17 =	vld.idx.msk [tilespmem:v0+s16+$0x10 ss:$0x1], $0xffff;
	[tilespmem:v0+s3+$0x10 ss:$0x1] =	vst.idx.msk $0xffff, v21;
	v21 =	vor.u32 s6, v5;
	vm1 =	vge.f32 v18, v20;
	vm0 =	vgt.s32 v13, $0xFFFFFFFF  }
0x71: {  	[tilespmem:v0+s12+$0x10 ss:$0x1] =	vst.idx.msk $0xffff, v63;
	v16 =	vld.idx.msk [tilespmem:v0+s14+$0x0 ss:$0x1], $0xffff;
	s6 =	sshll.u32 s24, $0x4;
	vm4 =	vgt.s32 v13, $0x0;
	v20 =	vsel vm1, v18, v20;
	v22 =	vnsel vm0, $0xF149F2CA, v23  }
0x72: {  	s26 =	sadd.s32 $0x2800, s0;
	s21 =	simm.s32 $0x6;
	s0 =	sadd.s32 s6, s25;
	v19 =	vsel vm1, v21, v19;
	v18 =	vld.idx.msk [tilespmem:v0+s20+$0x10 ss:$0x1], $0xffff;
	v21 =	vor.u32 s19, v5;
	vm3 =	vge.f32 v22, v20  }
.LBB2_2:
0x73: {  	s21 =	sadd.s32 $0x2, s21;
	v13 =	vnsel vm4, $0x0, v13;
	v20 =	vsel vm3, v22, v20;
	v19 =	vsel vm3, v21, v19;
	v21 =	vld.idx.msk [tilespmem:v3+s8+$0x0], $0xffff;
	s1 =	sadd.s32 $0x20, s1  }
0x74: {  	v23 =	vsel vm0, $0x1, v1;
	p0 =	slt.u32 s21, $0x12;
	v22 =	vld.idx.msk [tilespmem:v11+s10+$0x0], $0xffff;
	[tilespmem:v0+s1+$0x0 ss:$0x1] =	vst.idx.msk $0xffff, v12  }
0x75: {  	s13 =	sadd.s32 $0x20, s13;
	v12 =	vld.idx.msk [tilespmem:v2+s7+$0x0], $0xffff;
	v2 =	vmov v11  }
0x76: {  	s14 =	sadd.s32 $0x20, s14;
	v11 =	vld.idx.msk [tilespmem:v0+s13+$0xFFFFFFF0 ss:$0x1], $0xffff  }
0x77: {  	v10 =	vsub.f32 v8, v10;
	v14 =	vsub.f32 v14, v7;
	v7 =	vld.idx.msk [tilespmem:v0+s14+$0xFFFFFFF0 ss:$0x1], $0xffff  }
0x78: {  	s16 =	sadd.s32 $0x20, s16;
	v15 =	vsub.f32 v17, v15;
	v16 =	vsub.f32 v18, v16;
	v17 =	vld.idx.msk [tilespmem:v13+s10+$0x0], $0xffff  }
0x79: {  	s11 =	sadd.s32 $0x20, s11;
	v24 =	vadd.f32 $1.000000000e+00, v10;
	v14 =	vadd.f32 $1.000000000e+00, v14;
	v8 =	vld.idx.msk [tilespmem:v0+s16+$0x0 ss:$0x1], $0xffff;
	[tilespmem:v0+s1+$0x10 ss:$0x1] =	vst.idx.msk $0xffff, v21  }
0x7a: {  	s2 =	sadd.s32 $0x20, s2;
	[tilespmem:v0+s11+$0x0 ss:$0x1] =	vst.idx.msk $0xffff, v22;
	v18 =	vld.idx.msk [tilespmem:v3+s7+$0x0], $0xffff;
	v3 =	vmov v13  }
0x7b: {  	s17 =	sadd.s32 $0x20, s17;
	s3 =	sadd.s32 $0x20, s3;
	v13 =	vmul.f32 v14, v24;
	v14 =	vadd.f32 $1.000000000e+00, v15;
	v15 =	vadd.f32 $1.000000000e+00, v16;
	v16 =	vld.idx.msk [tilespmem:v2+s9+$0x0], $0xffff;
	[tilespmem:v0+s2+$0x0 ss:$0x1] =	vst.idx.msk $0xffff, v12  }
0x7c: {  	s18 =	sadd.s32 $0x20, s18;
	s15 =	sadd.s32 $0x20, s15;
	v10 =	vmov v11;
	v21 =	vld.idx.msk [tilespmem:v0+s17+$0x0 ss:$0x1], $0xffff;
	[tilespmem:v0+s3+$0x0 ss:$0x1] =	vst.idx.msk $0xffff, v4;
	v4 =	vmov v9  }
0x7d: {  	v9 =	vmul.f32 v15, v14;
	v22 =	vld.idx.msk [tilespmem:v0+s18+$0x0 ss:$0x1], $0xffff;
	[tilespmem:v0+s15+$0x0 ss:$0x1] =	vst.idx.msk $0xffff, v13  }
0x7e: {  	v13 =	vld.idx.msk [tilespmem:v0+s17+$0x10 ss:$0x1], $0xffff;
	[tilespmem:v0+s11+$0x10 ss:$0x1] =	vst.idx.msk $0xffff, v17  }
0x7f: {  	v24 =	vld.idx.msk [tilespmem:v0+s18+$0x10 ss:$0x1], $0xffff;
	[tilespmem:v0+s15+$0x10 ss:$0x1] =	vst.idx.msk $0xffff, v9  }
0x80: {  	s20 =	sadd.s32 $0x20, s20;
	s12 =	sadd.s32 $0x20, s12;
	v25 =	vld.idx.msk [tilespmem:v3+s9+$0x0], $0xffff;
	[tilespmem:v0+s2+$0x10 ss:$0x1] =	vst.idx.msk $0xffff, v18  }
0x81: {  	v14 =	vld.idx.msk [tilespmem:v0+s20+$0x0 ss:$0x1], $0xffff;
	[tilespmem:v0+s12+$0x0 ss:$0x1] =	vst.idx.msk $0xffff, v16  }
.Ltmp1:
0x82: {  	s19 =	sadd.s32 $0x20, s19;
	vm0 =	vgt.s32 v21, $0x0;
	vm1 =	vgt.s32 v21, $0xFFFFFFFF;
	v12 =	vld.idx.msk [tilespmem:v2+s8+$0x0], $0xffff;
	[tilespmem:v0+s3+$0x10 ss:$0x1] =	vst.idx.msk $0xffff, v6;
	v6 =	vmov v23;
	(pc) =	sbr.rel @p0 .LBB2_2-.Ltmp1, $4  }
0x83: {  	s22 =	sadd.s32 $0xFFFFFFF0, s19;
	v11 =	vnsel vm0, $0x0, v21;
	v9 =	vsel vm1, $0x1, v1;
	v18 =	vnsel vm1, $0xF149F2CA, v22;
	v15 =	vld.idx.msk [tilespmem:v0+s13+$0x0 ss:$0x1], $0xffff  }
0x84: {  	v21 =	vor.u32 s22, v5;
	vm1 =	vge.f32 v18, v20;
	vm0 =	vgt.s32 v13, $0xFFFFFFFF;
	v16 =	vld.idx.msk [tilespmem:v0+s14+$0x0 ss:$0x1], $0xffff  }
0x85: {  	v20 =	vsel vm1, v18, v20;
	v19 =	vsel vm1, v21, v19;
	v22 =	vnsel vm0, $0xF149F2CA, v24;
	v17 =	vld.idx.msk [tilespmem:v0+s16+$0x10 ss:$0x1], $0xffff  }
0x86: {  	vm4 =	vgt.s32 v13, $0x0;
	v21 =	vor.u32 s19, v5;
	vm3 =	vge.f32 v22, v20;
	v18 =	vld.idx.msk [tilespmem:v0+s20+$0x10 ss:$0x1], $0xffff;
	[tilespmem:v0+s12+$0x10 ss:$0x1] =	vst.idx.msk $0xffff, v25  }
0x87: {  	_ =	sdelay $0x2  }
0x88: {  	s13 =	sadd.s32 $0x20, s17  }
0x89: {  	s14 =	sadd.s32 $0x20, s18;
	v23 =	vld.idx.msk [tilespmem:v0+s13+$0x0 ss:$0x1], $0xffff  }
0x8a: {  	v24 =	vld.idx.msk [tilespmem:v0+s14+$0x0 ss:$0x1], $0xffff  }
0x8b: {  	v25 =	vld.idx.msk [tilespmem:v0+s13+$0x10 ss:$0x1], $0xffff  }
0x8c: {  	v26 =	vld.idx.msk [tilespmem:v0+s14+$0x10 ss:$0x1], $0xffff;
	_ =	sdelay $0x1  }
0x8d: {  	vm2 =	vgt.s32 v23, $0xFFFFFFFF  }
0x8e: {  	v20 =	vsel vm3, v22, v20;
	v45 =	vnsel vm2, $0xF149F2CA, v24  }
0x8f: {  	vm1 =	vgt.s32 v25, $0xFFFFFFFF;
	vm5 =	vge.f32 v45, v20  }
0x90: {  	v46 =	vnsel vm1, $0xF149F2CA, v26;
	v20 =	vsel vm5, v45, v20  }
0x91: {  	vm6 =	vge.f32 v46, v20  }
0x92: {  	v20 =	vsel vm6, v46, v20  }
0x93: {  	(xrf0) =	vmax.scan.msk.f32 $0xffff, v20;
	_ =	sdelay $0x1  }
0x94: {  	v8 =	vsub.f32 v8, v10;
	v7 =	vsub.f32 v14, v7  }
0x95: {  	s19 =	sadd.s32 $0x20, s19  }
0x96: {  	v13 =	vnsel vm4, $0x0, v13;
	s20 =	sadd.s32 $0xFFFFFFF0, s19;
	v8 =	vadd.f32 $1.000000000e+00, v8;
	v7 =	vadd.f32 $1.000000000e+00, v7  }
0x97: {  	v19 =	vsel vm3, v21, v19;
	v48 =	vor.u32 s20, v5;
	v5 =	vor.u32 s19, v5  }
0x98: {  	v47 =	vsub.f32 v17, v15;
	v49 =	vsub.f32 v18, v16;
	v7 =	vmul.f32 v7, v8;
	v50, _, _ =	vpop (xrf0)  }
0x99: {  	vm3 =	vgt.s32 v23, $0x0;
	v14 =	vsel vm5, v48, v19;
	v16 =	vbroadcast v50, $0xF  }
0x9a: {  	v52 =	vld.idx.msk [tilespmem:v11+s10+$0x0], $0xffff;
	v54 =	vadd.f32 $1.000000000e+00, v47;
	v51 =	vnsel vm3, $0x0, v23;
	v5 =	vsel vm6, v5, v14  }
0x9b: {  	vm3 =	vgt.s32 v25, $0x0;
	v5 =	vxor.u32 $0x80000000, v5;
	vm15 =	veq.f32 v20, v16  }
0x9c: {  	v55 =	vadd.f32 $1.000000000e+00, v49;
	v53 =	vnsel vm3, $0x0, v25;
	v5 =	vnsel vm15, $0x7FFFFFFF, v5  }
0x9d: {  	s21 =	sadd.s32 $0x20, s15;
	v56 =	vld.idx.msk [tilespmem:v13+s10+$0x0], $0xffff;
	(xrf0) =	vmax.scan.msk.u32 $0xffff, v5  }
0x9e: {  	s11 =	sadd.s32 $0x20, s11;
	[tilespmem:v0+s21+$0x0 ss:$0x1] =	vst.idx.msk $0xffff, v7;
	v57 =	vmul.f32 v55, v54;
	v5 =	vld.idx.msk [tilespmem:v3+s8+$0x0], $0xffff  }
0x9f: {  	[tilespmem:v0+s11+$0x0 ss:$0x1] =	vst.idx.msk $0xffff, v52;
	v58 =	vld.idx.msk [tilespmem:v51+s10+$0x0], $0xffff  }
0xa0: {  	s1 =	sadd.s32 $0x20, s1;
	v59 =	vld.idx.msk [tilespmem:v11+s9+$0x0], $0xffff;
	[tilespmem:v0+s21+$0x10 ss:$0x1] =	vst.idx.msk $0xffff, v57  }
0xa1: {  	[tilespmem:v0+s1+$0x0 ss:$0x1] =	vst.idx.msk $0xffff, v12;
	v7 =	vld.idx.msk [tilespmem:v53+s10+$0x0], $0xffff  }
0xa2: {  	v2 =	vld.idx.msk [tilespmem:v2+s7+$0x0], $0xffff;
	[tilespmem:v0+s11+$0x10 ss:$0x1] =	vst.idx.msk $0xffff, v56  }
0xa3: {  	s22 =	sadd.s32 $0x20, s11;
	[tilespmem:v0+s1+$0x10 ss:$0x1] =	vst.idx.msk $0xffff, v5;
	v5 =	vld.idx.msk [tilespmem:v13+s9+$0x0], $0xffff;
	v60, _, _ =	vpop (xrf0)  }
0xa4: {  	s28 =	sadd.s32 $0x20, s12;
	[tilespmem:v0+s22+$0x0 ss:$0x1] =	vst.idx.msk $0xffff, v58;
	(v2sf) =	vpush v60, $0xF  }
0xa5: {  	[tilespmem:v0+s28+$0x0 ss:$0x1] =	vst.idx.msk $0xffff, v59;
	v8 =	vld.idx.msk [tilespmem:v51+s9+$0x0], $0xffff  }
0xa6: {  	s2 =	sadd.s32 $0x20, s2;
	v10 =	vld.idx.msk [tilespmem:v11+s8+$0x0], $0xffff;
	[tilespmem:v0+s22+$0x10 ss:$0x1] =	vst.idx.msk $0xffff, v7  }
0xa7: {  	[tilespmem:v0+s2+$0x0 ss:$0x1] =	vst.idx.msk $0xffff, v2;
	v2 =	vld.idx.msk [tilespmem:v53+s9+$0x0], $0xffff  }
0xa8: {  	s3 =	sadd.s32 $0x20, s3;
	v3 =	vld.idx.msk [tilespmem:v3+s7+$0x0], $0xffff;
	[tilespmem:v0+s28+$0x10 ss:$0x1] =	vst.idx.msk $0xffff, v5  }
0xa9: {  	s29 =	sadd.s32 $0x20, s28;
	[tilespmem:v0+s3+$0x0 ss:$0x1] =	vst.idx.msk $0xffff, v4;
	v4 =	vld.idx.msk [tilespmem:v13+s8+$0x0], $0xffff  }
0xaa: {  	[tilespmem:v0+s29+$0x0 ss:$0x1] =	vst.idx.msk $0xffff, v8;
	s1 =	sadd.s32 $0x20, s1  }
0xab: {  	[tilespmem:v0+s1+$0x0 ss:$0x1] =	vst.idx.msk $0xffff, v10;
	v5 =	vld.idx.msk [tilespmem:v51+s8+$0x0], $0xffff  }
0xac: {  	[tilespmem:v0+s29+$0x10 ss:$0x1] =	vst.idx.msk $0xffff, v2;
	v61 =	vld.idx.msk [tilespmem:v11+s7+$0x0], $0xffff  }
0xad: {  	v2 =	vld.idx.msk [tilespmem:v53+s8+$0x0], $0xffff;
	[tilespmem:v0+s2+$0x10 ss:$0x1] =	vst.idx.msk $0xffff, v3  }
0xae: {  	[tilespmem:v0+s1+$0x10 ss:$0x1] =	vst.idx.msk $0xffff, v4  }
0xaf: {  	[tilespmem:v0+s3+$0x10 ss:$0x1] =	vst.idx.msk $0xffff, v6;
	s1 =	sadd.s32 $0x20, s1;
	v3 =	vld.idx.msk [tilespmem:v13+s7+$0x0], $0xffff  }
0xb0: {  	s2 =	sadd.s32 $0x20, s2;
	[tilespmem:v0+s1+$0x0 ss:$0x1] =	vst.idx.msk $0xffff, v5  }
0xb1: {  	[tilespmem:v0+s2+$0x0 ss:$0x1] =	vst.idx.msk $0xffff, v61;
	v4 =	vld.idx.msk [tilespmem:v51+s7+$0x0], $0xffff  }
0xb2: {  	s3 =	sadd.s32 $0x20, s3;
	[tilespmem:v0+s1+$0x10 ss:$0x1] =	vst.idx.msk $0xffff, v2  }
0xb3: {  	[tilespmem:v0+s3+$0x0 ss:$0x1] =	vst.idx.msk $0xffff, v9;
	v2 =	vld.idx.msk [tilespmem:v53+s7+$0x0], $0xffff;
	s30 =	spop (v2sf)  }
0xb4: {  	v5 =	vsel vm0, $0x1, v1;
	[tilespmem:v0+s2+$0x10 ss:$0x1] =	vst.idx.msk $0xffff, v3;
	s1 =	sxor.u32 $0x80000000, s30  }
0xb5: {  	s2 =	sadd.s32 $0x20, s2;
	[tilespmem:v0+s3+$0x10 ss:$0x1] =	vst.idx.msk $0xffff, v5;
	s1 =	scvt.s32.f32 s1  }
0xb6: {  	v3 =	vsel vm2, $0x1, v1;
	[tilespmem:v0+s2+$0x0 ss:$0x1] =	vst.idx.msk $0xffff, v4;
	s3 =	sadd.s32 $0x20, s3  }
0xb7: {  	vm0 =	vcmask $0x704;
	[tilespmem:v0+s3+$0x0 ss:$0x1] =	vst.idx.msk $0xffff, v3;
	v3 =	vmov s1  }
0xb8: {  	v1 =	vsel vm1, $0x1, v1;
	[tilespmem:v0+s2+$0x10 ss:$0x1] =	vst.idx.msk $0xffff, v2;
	v2 =	vnsel vm0, $0x0, v3;
	vm0 =	vmmov $0x1  }
0xb9: {  	[tilespmem:v0+s3+$0x10 ss:$0x1] =	vst.idx.msk $0xffff, v1;
	v1 =	vsel vm0, v16, v2  }
0xba: {  	s8 =	simm.s32 $0x1;
	s7 =	simm.s32 $0xF280;
	[tilespmem:$0xF280] =	vst v1  }
0xbb: {  	[spmem:s0] =	stream.linear.scatter [tilespmem:s7], [sflag:$0x1], $0x10, $0x38;
	[tilespmem:$0xF4A0] =	vst v63  }
0xbc: {  	_ =	swait.ge [sflag:s8], $0x10  }
0xbd: {  	v1 =	vlaneseq.u32;
	[sflag:s8] =	ssyncset.done $0x0  }
0xbe: {  	v2 =	vmul.u32 $0x10, v1;
	[sflag:s8] =	ssyncadd.s32 $0xFFFFFFF0  }
0xbf: {  	s10 =	simm.s32 $0x2;
	s9 =	simm.s32 $0xF300;
	[bflag:$0x0] =	sbarrier.arrive $0xFFFF  }
0xc0: {  	[tilespmem:s9], [sflag:$0x2] =	stream.linear.gather [spmem:s25], $0x100, $0x38;
	[tilespmem:$0xF4A0] =	vst v63  }
0xc1: {  	_ =	swait.ge [sflag:s10], $0x100  }
0xc2: {  	[sflag:s10] =	ssyncset.done $0x0  }
0xc3: {  	[sflag:s10] =	ssyncadd.s32 $0xFFFFFF00  }
0xc4: {  	v4 =	vld.idx.msk [tilespmem:v2+s9+$0x0], $0xffff  }
0xc5: {  	v3 =	vor.u32 $0x1, v2;
	_ =	sdelay $0x3  }
0xc6: {  	(xrf0) =	vmax.scan.msk.f32 $0xffff, v4  }
0xc7: {  	v5 =	vld.idx.msk [tilespmem:v3+s9+$0x0], $0xffff;
	_ =	sdelay $0x4  }
0xc8: {  	v5 =	vtrunc.f32 v5;
	v62, _, _ =	vpop (xrf0)  }
0xc9: {  	v5 =	vcvt.f32.s32 v5;
	v63 =	vbroadcast v62, $0xF;
	_ =	sdelay $0x1  }
0xca: {  	vm1 =	veq.f32 v4, v63;
	v4 =	vxor.u32 $0x80000000, v5  }
0xcb: {  	v4 =	vnsel vm1, $0x7FFFFFFF, v4  }
0xcc: {  	(xrf0) =	vmax.scan.msk.u32 $0xffff, v4  }
0xcd: {  	(v2sf) =	vpush v62, $0xF;
	_ =	sdelay $0x4  }
0xce: {  	v4, _, _ =	vpop (xrf0)  }
0xcf: {  	(v2sf) =	vpush v4, $0xF;
	_ =	sdelay $0x8  }
0xd0: {  	s31 =	spop (v2sf)  }
0xd1: {  	p0 =	sgt.f32 s31, $-5.000000080e+29  }
.Ltmp2:
0xd2: {  	_ = 	snop;
	(pc) =	sbr.rel @!p0 .LBB2_4-.Ltmp2, $2  }
0xd3: {  	_ =	sdelay $0x2  }
0xd4: {  	s0 =	spop (v2sf)  }
0xd5: {  	s0 =	sxor.u32 $0x80000000, s0  }
0xd6: {  	p0 =	sgt.s32 s0, $0x0  }
0xd7: {  	s0 =	simm.s32 @!p0 $0x0  }
0xd8: {  	v4 =	vmov s0  }
0xd9: {  	v5 =	vbroadcast v4, $0x0;
	_ =	sdelay $0x4  }
0xda: {  	s11 =	simm.s32 $0x0  }
0xdb: {  	s12 =	simm.s32 $0x1400;
	v11 =	vld.idx.msk [tilespmem:v5+s11+$0x0], $0xffff  }
0xdc: {  	s13 =	simm.s32 $0x2800;
	v12 =	vld.idx.msk [tilespmem:v5+s12+$0x0], $0xffff  }
0xdd: {  	s14 =	simm.s32 $0x3C00;
	v14 =	vld.idx.msk [tilespmem:v5+s13+$0x0], $0xffff  }
0xde: {  	s15 =	simm.s32 $0x5000;
	v6 =	vimm.s32 $0x0;
	vm1 =	vcmask $0x3F10;
	v15 =	vld.idx.msk [tilespmem:v5+s14+$0x0], $0xffff  }
0xdf: {  	s16 =	simm.s32 $0x6400;
	vm2 =	vcmask $0x3F0C;
	v8 =	vimm.f32 $0.0e+00;
	v9 =	vimm.f32 $0.0e+00;
	v10 =	vld.idx.msk [tilespmem:v5+s15+$0x0], $0xffff  }
0xe0: {  	[dreg:$0x5] =	wrdreg s26;
	s21 =	simm.s32 $0xF200;
	v7 =	vimm.f32 $0.0e+00;
	s22 =	simm.s32 $0x1;
	v4 =	vimm.f32 $0.0e+00;
	v13 =	vld.idx.msk [tilespmem:v5+s16+$0x0], $0xffff;
	v5 =	vimm.f32 $0.0e+00  }
.LBB2_6:
0xe1: {  	_ =	sdelay $0x3  }
0xe2: {  	v18 =	vld.idx.msk [tilespmem:v0+s13+$0x10 ss:$0x1], $0xffff  }
0xe3: {  	v22 =	vld.idx.msk [tilespmem:v0+s14+$0x10 ss:$0x1], $0xffff  }
0xe4: {  	v24 =	vld.idx.msk [tilespmem:v0+s13+$0x0 ss:$0x1], $0xffff  }
0xe5: {  	v25 =	vld.idx.msk [tilespmem:v0+s14+$0x0 ss:$0x1], $0xffff  }
0xe6: {  	s1 =	simm.s32 $0x10;
	v63 =	vld.idx.msk [tilespmem:v0+s16+$0x10 ss:$0x1], $0xffff  }
0xe7: {  	s2 =	simm.s32 $0x1410;
	v16 =	vld.idx.msk [tilespmem:v0+s1+$0x0 ss:$0x1], $0xffff  }
0xe8: {  	v17 =	vld.idx.msk [tilespmem:v0+s2+$0x0 ss:$0x1], $0xffff  }
0xe9: {  	v23 =	vld.idx.msk [tilespmem:v0+s1+$0xFFFFFFF0 ss:$0x1], $0xffff  }
0xea: {  	s24 =	simm.s32 $0x8C00;
	v26 =	vld.idx.msk [tilespmem:v0+s2+$0xFFFFFFF0 ss:$0x1], $0xffff  }
0xeb: {  	s17 =	simm.s32 $0xDC00;
	v30 =	vld.idx.msk [tilespmem:v0+s24+$0x10 ss:$0x1], $0xffff  }
0xec: {  	s26 =	simm.s32 $0xA000;
	v31 =	vld.idx.msk [tilespmem:v0+s17+$0x10 ss:$0x1], $0xffff  }
0xed: {  	s3 =	simm.s32 $0xC800;
	v19 =	vsub.f32 v14, v11;
	v33 =	vld.idx.msk [tilespmem:v0+s26+$0x0 ss:$0x1], $0xffff;
	v21 =	vsub.f32 v15, v12  }
0xee: {  	s28 =	simm.s32 $0x3C20;
	v34 =	vld.idx.msk [tilespmem:v0+s3+$0x0 ss:$0x1], $0xffff  }
0xef: {  	v40 =	vld.idx.msk [tilespmem:v0+s28+$0x10 ss:$0x1], $0xffff;
	v27 =	vadd.f32 $1.000000000e+00, v19;
	v28 =	vadd.f32 $1.000000000e+00, v21;
	v18 =	vmin.f32 v14, v18  }
0xf0: {  	s18 =	simm.s32 $0xF000;
	v45 =	vld.idx.msk [tilespmem:v0+s28+$0x0 ss:$0x1], $0xffff;
	v29 =	vmin.f32 v15, v22;
	v24 =	vmin.f32 v14, v24;
	v25 =	vmin.f32 v15, v25  }
0xf1: {  	s19 =	simm.s32 $0xF080;
	v20 =	vld.idx.msk [tilespmem:v13+s18+$0x0], $0xffff;
	v16 =	vmax.f32 v11, v16;
	v17 =	vmax.f32 v12, v17;
	v23 =	vmax.f32 v11, v23  }
0xf2: {  	v19 =	vld.idx.msk [tilespmem:v13+s19+$0x0], $0xffff;
	v26 =	vmax.f32 v12, v26;
	v18 =	vsub.f32 v18, v16;
	v17 =	vsub.f32 v29, v17  }
0xf3: {  	s23 =	simm.s32 $0xF100;
	v23 =	vsub.f32 v24, v23;
	v24 =	vsub.f32 v25, v26;
	v25 =	vld.idx.msk [tilespmem:v0+s24+$0x0 ss:$0x1], $0xffff  }
0xf4: {  	s20 =	smov.u32 s25;
	s25 =	simm.s32 $0xF180;
	v21 =	vld.idx.msk [tilespmem:v13+s23+$0x0], $0xffff;
	v16 =	vmul.f32 v28, v27;
	v18 =	vadd.f32 $1.000000000e+00, v18;
	v17 =	vadd.f32 $1.000000000e+00, v17  }
0xf5: {  	s19 =	simm.s32 $0x8C20;
	v22 =	vld.idx.msk [tilespmem:v13+s25+$0x0], $0xffff;
	v23 =	vadd.f32 $1.000000000e+00, v23;
	v24 =	vadd.f32 $1.000000000e+00, v24  }
0xf6: {  	s23 =	simm.s32 $0x7800;
	v36 =	vld.idx.msk [tilespmem:v0+s19+$0x10 ss:$0x1], $0xffff;
	v28 =	vadd.f32 v30, v16;
	v18 =	vmax.f32 v18, $0.0e+00;
	v17 =	vmax.f32 v17, $0.0e+00  }
0xf7: {  	s25 =	simm.s32 $0x1430;
	v51 =	vld.idx.msk [tilespmem:v0+s23+$0x10 ss:$0x1], $0xffff;
	v23 =	vmax.f32 v23, $0.0e+00;
	v30 =	vmul.f32 v17, v18;
	v17 =	vmax.f32 v24, $0.0e+00  }
0xf8: {  	v38 =	vld.idx.msk [tilespmem:v0+s25+$0x0 ss:$0x1], $0xffff;
	v32 =	vmul.f32 v17, v23;
	v17 =	vadd.f32 v25, v16  }
0xf9: {  	s18 =	simm.s32 $0xB400;
	v26 =	vld.idx.msk [tilespmem:v0+s26+$0x10 ss:$0x1], $0xffff;
	v18 =	vsub.f32 v28, v30  }
0xfa: {  	v27 =	vld.idx.msk [tilespmem:v0+s18+$0x10 ss:$0x1], $0xffff;
	v17 =	vsub.f32 v17, v32  }
0xfb: {  	v29 =	vld.idx.msk [tilespmem:v0+s3+$0x10 ss:$0x1], $0xffff;
	s24 =	simm.s32 $0x30;
	(erf) = vrcp.f32 v18  }
0xfc: {  	v46 =	vsub.f32 v34, v33;
	s26 =	simm.s32 $0x2820;
	v37 =	vld.idx.msk [tilespmem:v0+s24+$0x0 ss:$0x1], $0xffff;
	(erf) = vrcp.f32 v17  }
0xfd: {  	vm5 =	vne.s32 v63, v13;
	v40 =	vmin.f32 v15, v40;
	v45 =	vmin.f32 v15, v45;
	v39 =	vld.idx.msk [tilespmem:v0+s26+$0x10 ss:$0x1], $0xffff  }
0xfe: {  	v44 =	vld.idx.msk [tilespmem:v0+s26+$0x0 ss:$0x1], $0xffff;
	v56 =	vadd.f32 $1.000000000e+00, v46;
	v34 =	vmin.f32 v21, v34;
	v33 =	vmax.f32 v20, v33  }
0xff: {  	v41 =	vld.idx.msk [tilespmem:v0+s24+$0xFFFFFFF0 ss:$0x1], $0xffff;
	v36 =	vadd.f32 v36, v16;
	vm7 =	vgt.s32 v51, $0x0;
	v24 =	vsub.f32 v22, v19  }
0x100: {  	v38 =	vmax.f32 v12, v38;
	v42 =	vsub.f32 v29, v26;
	v43 =	vsub.f32 v31, v27  }
0x101: {  	v29 =	vmin.f32 v21, v29;
	v26 =	vmax.f32 v20, v26;
	v31 =	vmin.f32 v22, v31  }
0x102: {  	v27 =	vmax.f32 v19, v27;
	v38 =	vsub.f32 v40, v38;
	v23 =	vsub.f32 v21, v20  }
0x103: {  	v46 =	vld.idx.msk [tilespmem:v0+s23+$0x0 ss:$0x1], $0xffff;
	v39 =	vmin.f32 v14, v39;
	v37 =	vmax.f32 v11, v37;
	v44 =	vmin.f32 v14, v44  }
0x104: {  	v41 =	vmax.f32 v11, v41;
	v26 =	vsub.f32 v29, v26;
	v29 =	vsub.f32 v31, v27;
	v48 =	vpop (erf)  }
0x105: {  	v31 =	vsub.f32 v34, v33;
	v37 =	vsub.f32 v39, v37;
	v49 =	vpop (erf);
	v30 =	vmul.f32 v48, v30  }
0x106: {  	v41 =	vsub.f32 v44, v41;
	v55 =	vadd.f32 $1.000000000e+00, v42;
	v48 =	vmul.f32 v49, v32  }
0x107: {  	v25 =	vimm.f32 $-1.000000020e+30;
	v57 =	vadd.f32 $1.000000000e+00, v43;
	v49 =	vsub.f32 $1.500000000e+00, v30  }
0x108: {  	vm8 =	vgt.s32 v46, $0x0;
	v38 =	vadd.f32 $1.000000000e+00, v38;
	v50 =	vsub.f32 $1.500000000e+00, v48  }
0x109: {  	v35 =	vld.idx.msk [tilespmem:v0+s17+$0x0 ss:$0x1], $0xffff;
	v26 =	vadd.f32 $1.000000000e+00, v26;
	v31 =	vadd.f32 $1.000000000e+00, v31;
	v27 =	vand.u32 $0x7FFFFF, v49  }
0x10a: {  	v28 =	vld.idx.msk [tilespmem:v0+s18+$0x0 ss:$0x1], $0xffff;
	v29 =	vadd.f32 $1.000000000e+00, v29;
	v61 =	vand.u32 $0x7FFFFF, v50;
	v62 =	vor.u32 $0x3F800000, v27  }
0x10b: {  	v18 =	vadd.f32 $1.000000000e+00, v24;
	v33 =	vor.u32 $0x3F800000, v61;
	v27 =	vadd.f32 $1.000000000e+00, v62  }
0x10c: {  	v24 =	vimm.s32 $0xFFFFFFFF;
	v59 =	vadd.f32 $1.000000000e+00, v37;
	v54 =	vadd.f32 $1.000000000e+00, v33  }
0x10d: {  	v40 =	vmul.f32 v57, v55;
	v17 =	vadd.f32 $1.000000000e+00, v23;
	(erf) = vrcp.f32 v27  }
0x10e: {  	v26 =	vmax.f32 v26, $0.0e+00;
	v29 =	vmax.f32 v29, $0.0e+00;
	(erf) = vrcp.f32 v54  }
0x10f: {  	v47 =	vsub.f32 v35, v28;
	v35 =	vmin.f32 v22, v35;
	v28 =	vmax.f32 v19, v28  }
0x110: {  	v31 =	vmax.f32 v31, $0.0e+00;
	v23 =	vmul.f32 v18, v17;
	v28 =	vsub.f32 v35, v28  }
0x111: {  	v60 =	vld.idx.msk [tilespmem:v0+s25+$0xFFFFFFF0 ss:$0x1], $0xffff;
	v26 =	vmul.f32 v29, v26;
	v17 =	vmov s0;
	v58 =	vadd.f32 $1.000000000e+00, v47  }
0x112: {  	v18 =	vor.u32 s5, v1;
	v29 =	vadd.f32 v40, v23;
	v28 =	vadd.f32 $1.000000000e+00, v28  }
0x113: {  	vm3 =	vne.s32 v18, v17;
	v35 =	vmax.f32 v59, $0.0e+00;
	v39 =	vmul.f32 v58, v56  }
0x114: {  	vm7 =	vmand vm3, vm7;
	v29 =	vsub.f32 v29, v26;
	v28 =	vmax.f32 v28, $0.0e+00  }
0x115: {  	v31 =	vmul.f32 v28, v31;
	v28 =	vadd.f32 v39, v23;
	v34 =	vadd.f32 $-1.000000000e+00, v62  }
0x116: {  	v32 =	vmax.f32 v12, v60;
	v60 =	vadd.f32 $1.000000000e+00, v41;
	v33 =	vadd.f32 $-1.000000000e+00, v33;
	v61 =	vpop (erf)  }
0x117: {  	v28 =	vsub.f32 v28, v31;
	v32 =	vsub.f32 v45, v32;
	v62 =	vpop (erf);
	v34 =	vmul.f32 v61, v34  }
0x118: {  	vm9 =	vgt.f32 v30, $5.000000000e-01;
	v37 =	vmax.f32 v60, $0.0e+00;
	v33 =	vmul.f32 v62, v33  }
0x119: {  	vm10 =	vgt.f32 v48, $5.000000000e-01;
	vm3 =	vle.f32 v48, $5.000000000e-01;
	v51 =	vmul.f32 v34, v34  }
0x11a: {  	v45 =	vld.idx.msk [tilespmem:v0+s16+$0x0 ss:$0x1], $0xffff;
	v32 =	vadd.f32 $1.000000000e+00, v32;
	v56 =	vshrl.u32 v49, $0x17;
	v47 =	vmul.f32 v33, v33  }
0x11b: {  	v58 =	vshrl.u32 v50, $0x17;
	v59 =	vadd.s32 $0xFFFFFF81, v56;
	v53 =	vmul.f32 $2.857142980e-01, v51  }
0x11c: {  	(erf) = vrcp.f32 v29;
	v29 =	vmax.f32 v38, $0.0e+00;
	v52 =	vmul.f32 $2.857142980e-01, v47  }
0x11d: {  	v63 =	vld.idx.msk [tilespmem:v0+s19+$0x0 ss:$0x1], $0xffff;
	v40 =	vadd.s32 $0xFFFFFF81, v58;
	v29 =	vmul.f32 v29, v35;
	v54 =	vadd.f32 $4.000000060e-01, v53  }
0x11e: {  	v39 =	vcvt.s32.f32 v59;
	(erf) = vrcp.f32 v28;
	v35 =	vadd.f32 $4.000000060e-01, v52  }
0x11f: {  	vm6 =	vne.s32 v45, v13;
	v36 =	vsub.f32 v36, v29;
	v55 =	vmul.f32 v54, v51  }
0x120: {  	v40 =	vcvt.s32.f32 v40;
	v27 =	vor.u32 s4, v1;
	v35 =	vmul.f32 v35, v47  }
0x121: {  	v28 =	vmax.f32 v32, $0.0e+00;
	(erf) = vrcp.f32 v36;
	v36 =	vadd.f32 $6.666666860e-01, v55  }
0x122: {  	v32 =	vmul.f32 v28, v37;
	v28 =	vadd.f32 v63, v16;
	v35 =	vadd.f32 $6.666666860e-01, v35  }
0x123: {  	v39 =	vmul.f32 $6.931471820e-01, v39;
	vm4 =	vne.s32 v27, v17;
	v36 =	vmul.f32 v36, v51  }
0x124: {  	vm8 =	vmand vm4, vm8;
	v28 =	vsub.f32 v28, v32;
	v35 =	vmul.f32 v35, v47  }
0x125: {  	vm4 =	vle.f32 v30, $5.000000000e-01;
	vm3 =	vmand vm8, vm3;
	v62 =	vld.idx.msk [tilespmem:v0+s15+$0x10 ss:$0x1], $0xffff;
	v36 =	vadd.f32 $2.000000000e+00, v36  }
0x126: {  	v61 =	vmul.f32 $6.931471820e-01, v40;
	v63 =	vld.idx.msk [tilespmem:v0+s15+$0x0 ss:$0x1], $0xffff;
	(erf) = vrcp.f32 v28;
	v57 =	vpop (erf);
	v35 =	vadd.f32 $2.000000000e+00, v35  }
0x127: {  	vm4 =	vmand vm7, vm4;
	v26 =	vmul.f32 v57, v26;
	v60 =	vpop (erf);
	v34 =	vmul.f32 v36, v34  }
0x128: {  	s1 =	simm.s32 $0xC820;
	v37 =	vsel vm8, $0x3F800000, v4;
	v31 =	vmul.f32 v60, v31;
	v33 =	vmul.f32 v35, v33  }
0x129: {  	v46 =	vld.idx.msk [tilespmem:v0+s1+$0x0 ss:$0x1], $0xffff;
	v28 =	vsel vm7, $0x3F800000, v4;
	vm11 =	vgt.f32 v30, v26;
	v30 =	vadd.f32 v34, v39  }
0x12a: {  	s2 =	simm.s32 $0xDC20;
	v42 =	vld.idx.msk [tilespmem:v0+s1+$0x10 ss:$0x1], $0xffff;
	v45 =	vnsel vm4, $0xF149F2CA, v62;
	vm12 =	vgt.f32 v48, v31;
	v26 =	vadd.f32 v33, v61  }
0x12b: {  	v44 =	vld.idx.msk [tilespmem:v0+s2+$0x10 ss:$0x1], $0xffff;
	s0 =	simm.s32 $0xB420;
	vm9 =	vmand vm9, vm11;
	v48 =	vnsel vm3, $0xF149F2CA, v63;
	v30 =	vsub.f32 $0.0e+00, v30  }
0x12c: {  	s31 =	simm.s32 $0xA020;
	v43 =	vld.idx.msk [tilespmem:v0+s0+$0x0 ss:$0x1], $0xffff;
	v31 =	vimm.f32 $0.0e+00;
	vm10 =	vmand vm10, vm12;
	v26 =	vsub.f32 $0.0e+00, v26  }
0x12d: {  	v40 =	vld.idx.msk [tilespmem:v0+s31+$0x0 ss:$0x1], $0xffff;
	vm5 =	vmand vm9, vm5;
	vm6 =	vmand vm10, vm6;
	v30 =	vmul.f32 v30, v62  }
0x12e: {  	v47 =	vld.idx.msk [tilespmem:v0+s2+$0x0 ss:$0x1], $0xffff;
	vm5 =	vmand vm7, vm5;
	vm6 =	vmand vm8, vm6;
	v26 =	vmul.f32 v26, v63  }
0x12f: {  	s29 =	simm.s32 $0x6400;
	s30 =	simm.s32 $0x5000;
	v38 =	vpop (erf);
	v36 =	vld.idx.msk [tilespmem:v0+s0+$0x10 ss:$0x1], $0xffff;
	v49 =	vsel vm6, $0x3F800000, v4;
	v33 =	vsel vm5, $0x3F800000, v4;
	v34 =	vnsel vm5, $0x0, v30  }
0x130: {  	s17 =	simm.s32 $0x2;
	s3 =	smov.u32 s5;
	s18 =	simm.s32 $0x8C40;
	v41 =	vpop (erf);
	v35 =	vld.idx.msk [tilespmem:v0+s31+$0x10 ss:$0x1], $0xffff;
	v30 =	vimm.f32 $0.0e+00;
	v39 =	vnsel vm6, $0x0, v26;
	v26 =	vimm.f32 $0.0e+00  }
.LBB2_7:
0x131: {  	v50 =	vld.idx.msk [tilespmem:v0+s18+$0x10 ss:$0x1], $0xffff;
	s24 =	sadd.s32 $0x20, s24;
	v30 =	vadd.f32 v37, v30;
	v31 =	vadd.f32 v49, v31;
	vm5 =	vge.f32 v48, v25  }
0x132: {  	s25 =	sadd.s32 $0x20, s25;
	v26 =	vadd.f32 v39, v26;
	v37 =	vld.idx.msk [tilespmem:v0+s24+$0x0 ss:$0x1], $0xffff;
	v25 =	vsel vm5, v48, v25;
	v24 =	vsel vm5, v27, v24  }
0x133: {  	s26 =	sadd.s32 $0x20, s26;
	v27 =	vld.idx.msk [tilespmem:v0+s25+$0x0 ss:$0x1], $0xffff;
	v30 =	vadd.f32 v28, v30;
	v31 =	vadd.f32 v33, v31;
	vm5 =	vge.f32 v45, v25  }
0x134: {  	s28 =	sadd.s32 $0x20, s28;
	s3 =	sadd.s32 $0x20, s3;
	v26 =	vadd.f32 v34, v26;
	v28 =	vld.idx.msk [tilespmem:v0+s26+$0x10 ss:$0x1], $0xffff;
	v25 =	vsel vm5, v45, v25;
	v24 =	vsel vm5, v18, v24  }
0x135: {  	v39 =	vsel vm4, $0x1, v6;
	v34 =	vsel vm3, $0x1, v6;
	v18 =	vor.u32 s3, v1;
	v33 =	vld.idx.msk [tilespmem:v0+s28+$0x10 ss:$0x1], $0xffff  }
0x136: {  	vm3 =	vne.s32 v18, v17;
	v45 =	vld.idx.msk [tilespmem:v0+s24+$0xFFFFFFF0 ss:$0x1], $0xffff;
	[tilespmem:v0+s23+$0x0 ss:$0x1] =	vst.idx.msk $0xffff, v34  }
0x137: {  	v49 =	vsub.f32 v42, v35;
	v51 =	vsub.f32 v44, v36;
	v42 =	vmin.f32 v21, v42;
	v48 =	vld.idx.msk [tilespmem:v0+s26+$0x0 ss:$0x1], $0xffff  }
0x138: {  	v35 =	vmax.f32 v20, v35;
	v44 =	vmin.f32 v22, v44;
	v36 =	vmax.f32 v19, v36;
	v52 =	vld.idx.msk [tilespmem:v0+s28+$0x0 ss:$0x1], $0xffff  }
0x139: {  	v53 =	vsub.f32 v46, v40;
	v46 =	vmin.f32 v21, v46;
	v54 =	vsub.f32 v47, v43  }
0x13a: {  	v40 =	vmax.f32 v20, v40;
	v47 =	vmin.f32 v22, v47;
	v43 =	vmax.f32 v19, v43  }
0x13b: {  	v50 =	vadd.f32 v50, v16;
	v34 =	vmul.f32 v38, v29;
	v28 =	vmin.f32 v14, v28  }
0x13c: {  	v37 =	vmax.f32 v11, v37;
	v38 =	vmin.f32 v15, v33;
	v33 =	vmul.f32 v41, v32;
	v29 =	vld.idx.msk [tilespmem:v0+s25+$0xFFFFFFF0 ss:$0x1], $0xffff  }
0x13d: {  	v27 =	vmax.f32 v12, v27;
	v41 =	vsub.f32 $1.500000000e+00, v34;
	v32 =	vmin.f32 v14, v48;
	[tilespmem:v0+s23+$0x10 ss:$0x1] =	vst.idx.msk $0xffff, v39  }
0x13e: {  	v48 =	vsub.f32 $1.500000000e+00, v33;
	v39 =	vmax.f32 v11, v45;
	v45 =	vmin.f32 v15, v52  }
0x13f: {  	v35 =	vsub.f32 v42, v35;
	v36 =	vsub.f32 v44, v36;
	v42 =	vand.u32 $0x7FFFFF, v41  }
0x140: {  	s29 =	sadd.s32 $0x20, s29;
	v40 =	vsub.f32 v46, v40;
	v42 =	vor.u32 $0x3F800000, v42;
	v44 =	vand.u32 $0x7FFFFF, v48  }
0x141: {  	v43 =	vsub.f32 v47, v43;
	s23 =	sadd.s32 $0x20, s23;
	v47 =	vadd.f32 $1.000000000e+00, v42;
	v44 =	vor.u32 $0x3F800000, v44;
	v46 =	vld.idx.msk [tilespmem:v0+s29+$0x10 ss:$0x1], $0xffff  }
0x142: {  	v28 =	vsub.f32 v28, v37;
	v37 =	vadd.f32 $1.000000000e+00, v44;
	v29 =	vmax.f32 v12, v29;
	v52 =	vld.idx.msk [tilespmem:v0+s23+$0x10 ss:$0x1], $0xffff  }
0x143: {  	v38 =	vsub.f32 v38, v27;
	v32 =	vsub.f32 v32, v39;
	(erf) = vrcp.f32 v47  }
0x144: {  	s19 =	sadd.s32 $0xFFFFFFF0, s3;
	v39 =	vadd.f32 $1.000000000e+00, v49;
	v29 =	vsub.f32 v45, v29;
	(erf) = vrcp.f32 v37  }
0x145: {  	v27 =	vor.u32 s19, v1;
	v45 =	vadd.f32 $1.000000000e+00, v51;
	v37 =	vadd.f32 $1.000000000e+00, v53  }
0x146: {  	v35 =	vadd.f32 $1.000000000e+00, v35;
	vm4 =	vne.s32 v27, v17;
	v47 =	vadd.f32 $1.000000000e+00, v54  }
0x147: {  	v36 =	vadd.f32 $1.000000000e+00, v36;
	v40 =	vadd.f32 $1.000000000e+00, v40;
	vm5 =	vne.s32 v46, v13  }
0x148: {  	v43 =	vadd.f32 $1.000000000e+00, v43;
	v28 =	vadd.f32 $1.000000000e+00, v28;
	vm7 =	vgt.s32 v52, $0x0  }
0x149: {  	v38 =	vadd.f32 $1.000000000e+00, v38;
	v32 =	vadd.f32 $1.000000000e+00, v32;
	v39 =	vmul.f32 v45, v39  }
0x14a: {  	v35 =	vmax.f32 v35, $0.0e+00;
	v36 =	vmax.f32 v36, $0.0e+00;
	v37 =	vmul.f32 v47, v37  }
0x14b: {  	v35 =	vmul.f32 v36, v35;
	v46 =	vmax.f32 v40, $0.0e+00;
	v36 =	vadd.f32 v39, v23  }
0x14c: {  	v42 =	vadd.f32 $-1.000000000e+00, v42;
	v39 =	vmax.f32 v43, $0.0e+00;
	v43 =	vadd.f32 $-1.000000000e+00, v44;
	v44 =	vpop (erf)  }
0x14d: {  	v39 =	vmul.f32 v39, v46;
	v37 =	vadd.f32 v37, v23;
	v36 =	vsub.f32 v36, v35;
	v45 =	vld.idx.msk [tilespmem:v0+s18+$0x0 ss:$0x1], $0xffff;
	v40 =	vpop (erf)  }
0x14e: {  	v46 =	vadd.f32 $1.000000000e+00, v29;
	v42 =	vmul.f32 v44, v42;
	v47 =	vld.idx.msk [tilespmem:v0+s29+$0x0 ss:$0x1], $0xffff;
	v40 =	vmul.f32 v40, v43  }
0x14f: {  	v28 =	vmax.f32 v28, $0.0e+00;
	v37 =	vsub.f32 v37, v39;
	v43 =	vld.idx.msk [tilespmem:v0+s23+$0x0 ss:$0x1], $0xffff;
	(erf) = vrcp.f32 v36  }
0x150: {  	v29 =	vmax.f32 v38, $0.0e+00;
	v38 =	vmul.f32 v42, v42;
	v36 =	vmul.f32 v40, v40  }
0x151: {  	v32 =	vmax.f32 v32, $0.0e+00;
	v29 =	vmul.f32 v29, v28;
	(erf) = vrcp.f32 v37  }
0x152: {  	v28 =	vmax.f32 v46, $0.0e+00;
	v44 =	vmul.f32 $2.857142980e-01, v38;
	v37 =	vmul.f32 $2.857142980e-01, v36  }
0x153: {  	v32 =	vmul.f32 v28, v32;
	v28 =	vadd.f32 v45, v16;
	v45 =	vsub.f32 v50, v29  }
0x154: {  	vm6 =	vne.s32 v47, v13;
	v44 =	vadd.f32 $4.000000060e-01, v44;
	v37 =	vadd.f32 $4.000000060e-01, v37  }
0x155: {  	v28 =	vsub.f32 v28, v32;
	vm9 =	vgt.s32 v43, $0x0;
	(erf) = vrcp.f32 v45  }
0x156: {  	vm8 =	vmand vm3, vm7;
	v43 =	vmul.f32 v44, v38;
	v37 =	vmul.f32 v37, v36  }
0x157: {  	vm7 =	vmand vm4, vm9;
	(erf) = vrcp.f32 v28;
	v28 =	vsel vm8, $0x3F800000, v4  }
0x158: {  	v41 =	vshrl.u32 v41, $0x17;
	v46 =	vadd.f32 $6.666666860e-01, v43;
	v37 =	vadd.f32 $6.666666860e-01, v37;
	v44 =	vpop (erf)  }
0x159: {  	s17 =	sadd.s32 $0x2, s17;
	v45 =	vshrl.u32 v48, $0x17;
	v44 =	vmul.f32 v44, v35;
	v35 =	vadd.s32 $0xFFFFFF81, v41  }
0x15a: {  	p0 =	slt.u32 s17, $0x12;
	v41 =	vadd.s32 $0xFFFFFF81, v45;
	v38 =	vmul.f32 v46, v38;
	v36 =	vmul.f32 v37, v36;
	v43 =	vpop (erf)  }
0x15b: {  	v37 =	vsel vm7, $0x3F800000, v4;
	v41 =	vcvt.s32.f32 v41;
	v35 =	vcvt.s32.f32 v35  }
0x15c: {  	s30 =	sadd.s32 $0x20, s30;
	v39 =	vmul.f32 v43, v39;
	v43 =	vadd.f32 $2.000000000e+00, v38;
	v36 =	vadd.f32 $2.000000000e+00, v36  }
0x15d: {  	vm4 =	vle.f32 v34, $5.000000000e-01;
	v45 =	vmul.f32 $6.931471820e-01, v41;
	v47 =	vmul.f32 $6.931471820e-01, v35;
	v46 =	vld.idx.msk [tilespmem:v0+s30+$0x10 ss:$0x1], $0xffff  }
0x15e: {  	s31 =	sadd.s32 $0x20, s31;
	vm9 =	vgt.f32 v34, $5.000000000e-01;
	v42 =	vmul.f32 v43, v42;
	v38 =	vpop (erf);
	v48 =	vld.idx.msk [tilespmem:v0+s30+$0x0 ss:$0x1], $0xffff;
	v40 =	vmul.f32 v36, v40  }
0x15f: {  	s0 =	sadd.s32 $0x20, s0;
	vm10 =	vgt.f32 v33, $5.000000000e-01;
	vm3 =	vle.f32 v33, $5.000000000e-01;
	vm11 =	vgt.f32 v34, v44;
	v35 =	vld.idx.msk [tilespmem:v0+s31+$0x10 ss:$0x1], $0xffff  }
0x160: {  	s1 =	sadd.s32 $0x20, s1;
	vm12 =	vgt.f32 v33, v39;
	v34 =	vadd.f32 v42, v47;
	v36 =	vld.idx.msk [tilespmem:v0+s0+$0x10 ss:$0x1], $0xffff;
	v41 =	vpop (erf);
	v33 =	vadd.f32 v40, v45  }
0x161: {  	s2 =	sadd.s32 $0x20, s2;
	vm3 =	vmand vm7, vm3;
	vm4 =	vmand vm8, vm4;
	vm9 =	vmand vm9, vm11;
	v42 =	vld.idx.msk [tilespmem:v0+s1+$0x10 ss:$0x1], $0xffff  }
.Ltmp3:
0x162: {  	vm10 =	vmand vm10, vm12;
	v34 =	vsub.f32 $0.0e+00, v34;
	v44 =	vld.idx.msk [tilespmem:v0+s2+$0x10 ss:$0x1], $0xffff;
	v33 =	vsub.f32 $0.0e+00, v33;
	(pc) =	sbr.rel @p0 .LBB2_7-.Ltmp3, $4  }
0x163: {  	vm5 =	vmand vm9, vm5;
	vm6 =	vmand vm10, vm6;
	v45 =	vnsel vm4, $0xF149F2CA, v46;
	v40 =	vld.idx.msk [tilespmem:v0+s31+$0x0 ss:$0x1], $0xffff  }
0x164: {  	vm5 =	vmand vm8, vm5;
	v34 =	vmul.f32 v34, v46;
	v43 =	vld.idx.msk [tilespmem:v0+s0+$0x0 ss:$0x1], $0xffff;
	v39 =	vmul.f32 v33, v48  }
0x165: {  	vm6 =	vmand vm7, vm6;
	v48 =	vnsel vm3, $0xF149F2CA, v48;
	v33 =	vsel vm5, $0x3F800000, v4;
	v46 =	vld.idx.msk [tilespmem:v0+s1+$0x0 ss:$0x1], $0xffff  }
0x166: {  	s18 =	sadd.s32 $0x20, s18;
	v49 =	vsel vm6, $0x3F800000, v4;
	v34 =	vnsel vm5, $0x0, v34;
	v47 =	vld.idx.msk [tilespmem:v0+s2+$0x0 ss:$0x1], $0xffff;
	v39 =	vnsel vm6, $0x0, v39  }
0x167: {  	v30 =	vadd.f32 v37, v30;
	v31 =	vadd.f32 v49, v31;
	vm5 =	vge.f32 v48, v25  }
0x168: {  	v29 =	vmul.f32 v38, v29;
	v38 =	vsub.f32 v42, v35;
	v52 =	vmax.f32 v20, v35  }
0x169: {  	v53 =	vmin.f32 v22, v44;
	v54 =	vmax.f32 v19, v36;
	v26 =	vadd.f32 v39, v26  }
0x16a: {  	v37 =	vsel vm5, v48, v25;
	v25 =	vmul.f32 v41, v32;
	v24 =	vsel vm5, v27, v24  }
0x16b: {  	v27 =	vsub.f32 v44, v36;
	v41 =	vmin.f32 v21, v42;
	v36 =	vsub.f32 v53, v54  }
0x16c: {  	v60 =	vmax.f32 v20, v40;
	v32 =	vsub.f32 $1.500000000e+00, v29;
	v35 =	vsub.f32 v41, v52  }
0x16d: {  	vm8 =	vge.f32 v45, v37;
	vm14 =	vle.f32 v29, $5.000000000e-01;
	v42 =	vsub.f32 $1.500000000e+00, v25  }
0x16e: {  	v28 =	vadd.f32 v28, v30;
	v56 =	vsub.f32 v46, v40;
	v55 =	vand.u32 $0x7FFFFF, v32  }
0x16f: {  	v57 =	vmin.f32 v21, v46;
	v50 =	vand.u32 $0x7FFFFF, v42;
	v48 =	vor.u32 $0x3F800000, v55  }
0x170: {  	v27 =	vadd.f32 $1.000000000e+00, v27;
	v58 =	vor.u32 $0x3F800000, v50;
	v59 =	vadd.f32 $1.000000000e+00, v48  }
0x171: {  	s19 =	sadd.s32 $0x20, s23;
	v21 =	vsel vm8, v45, v37;
	v36 =	vadd.f32 $1.000000000e+00, v36;
	v62 =	vadd.f32 $1.000000000e+00, v58  }
0x172: {  	v53 =	vld.idx.msk [tilespmem:v0+s19+$0x10 ss:$0x1], $0xffff;
	v61 =	vmin.f32 v22, v47;
	v63 =	vsub.f32 v47, v43;
	(erf) = vrcp.f32 v59  }
0x173: {  	v43 =	vmax.f32 v19, v43;
	v20 =	vsub.f32 v57, v60;
	(erf) = vrcp.f32 v62  }
0x174: {  	vm13 =	vle.f32 v25, $5.000000000e-01;
	v35 =	vadd.f32 $1.000000000e+00, v35;
	v19 =	vsub.f32 v61, v43  }
0x175: {  	s0 =	sadd.s32 $0x20, s3;
	v51 =	vadd.f32 $1.000000000e+00, v56;
	v55 =	vmax.f32 v36, $0.0e+00;
	v50 =	vadd.f32 $1.000000000e+00, v38  }
0x176: {  	v57 =	vld.idx.msk [tilespmem:v0+s19+$0x0 ss:$0x1], $0xffff;
	v38 =	vor.u32 s0, v1;
	v52 =	vadd.f32 $1.000000000e+00, v63;
	v20 =	vadd.f32 $1.000000000e+00, v20  }
0x177: {  	s0 =	sadd.s32 $0xFFFFFFF0, s0;
	v54 =	vmax.f32 v35, $0.0e+00;
	v60 =	vadd.f32 $-1.000000000e+00, v48;
	vm9 =	vgt.s32 v53, $0x0  }
0x178: {  	s1 =	sadd.s32 $0x20, s30;
	vm6 =	vne.s32 v38, v17;
	v41 =	vor.u32 s0, v1;
	v19 =	vadd.f32 $1.000000000e+00, v19  }
0x179: {  	v36 =	vld.idx.msk [tilespmem:v0+s1+$0x0 ss:$0x1], $0xffff;
	v58 =	vadd.f32 $-1.000000000e+00, v58;
	v22 =	vmul.f32 v27, v50;
	v56 =	vmul.f32 v52, v51  }
0x17a: {  	v35 =	vld.idx.msk [tilespmem:v0+s1+$0x10 ss:$0x1], $0xffff;
	v20 =	vmax.f32 v20, $0.0e+00;
	v27 =	vmul.f32 v55, v54;
	vm12 =	vne.s32 v41, v17  }
0x17b: {  	vm9 =	vmand vm6, vm9;
	v19 =	vmax.f32 v19, $0.0e+00;
	vm7 =	vgt.s32 v57, $0x0;
	v59 =	vpop (erf)  }
0x17c: {  	vm6 =	vmand vm9, vm14;
	v22 =	vadd.f32 v22, v23;
	v19 =	vmul.f32 v19, v20;
	v62 =	vpop (erf)  }
0x17d: {  	v61 =	vadd.f32 v56, v23;
	vm7 =	vmand vm12, vm7;
	v23 =	vmul.f32 v62, v58  }
0x17e: {  	vm5 =	vmand vm7, vm13;
	v22 =	vsub.f32 v22, v27;
	v37 =	vmul.f32 v59, v60  }
0x17f: {  	v51 =	vnsel vm6, $0xF149F2CA, v35;
	v49 =	vnsel vm5, $0xF149F2CA, v36;
	v63 =	vmul.f32 v23, v23  }
0x180: {  	vm10 =	vge.f32 v49, v21;
	(erf) = vrcp.f32 v22;
	v40 =	vmul.f32 v37, v37  }
0x181: {  	v20 =	vsub.f32 v61, v19;
	v21 =	vsel vm10, v49, v21;
	v48 =	vmul.f32 $2.857142980e-01, v63  }
0x182: {  	v26 =	vadd.f32 v34, v26;
	vm11 =	vge.f32 v51, v21;
	v50 =	vmul.f32 $2.857142980e-01, v40  }
0x183: {  	v21 =	vsel vm11, v51, v21;
	(erf) = vrcp.f32 v20;
	v20 =	vadd.f32 $4.000000060e-01, v48  }
0x184: {  	v18 =	vsel vm8, v18, v24;
	v53 =	vadd.f32 v33, v31;
	(xrf0) =	vmax.scan.msk.f32 $0xffff, v21;
	v52 =	vadd.f32 $4.000000060e-01, v50  }
0x185: {  	v56 =	vshrl.u32 v32, $0x17;
	v46 =	vsel vm7, $0x3F800000, v4;
	v20 =	vmul.f32 v20, v63  }
0x186: {  	v61 =	vadd.s32 $0xFFFFFF81, v56;
	v18 =	vsel vm10, v41, v18;
	v55 =	vmul.f32 v52, v40  }
0x187: {  	vm10 =	vgt.f32 v29, $5.000000000e-01;
	v59 =	vshrl.u32 v42, $0x17;
	v20 =	vadd.f32 $6.666666860e-01, v20  }
0x188: {  	v22 =	vcvt.s32.f32 v61;
	v60 =	vadd.s32 $0xFFFFFF81, v59;
	v57 =	vadd.f32 $6.666666860e-01, v55  }
0x189: {  	v18 =	vsel vm11, v38, v18;
	v33 =	vcvt.s32.f32 v60;
	v58 =	vpop (erf);
	v20 =	vmul.f32 v20, v63  }
0x18a: {  	s24 =	sadd.s32 $0x20, s29;
	v18 =	vxor.u32 $0x80000000, v18;
	v27 =	vmul.f32 v58, v27;
	v62 =	vmul.f32 v57, v40;
	v40, _, _ =	vpop (xrf0)  }
0x18b: {  	v42 =	vld.idx.msk [tilespmem:v0+s24+$0x0 ss:$0x1], $0xffff;
	v22 =	vmul.f32 $6.931471820e-01, v22;
	v32 =	vbroadcast v40, $0xF;
	v20 =	vadd.f32 $2.000000000e+00, v20  }
0x18c: {  	v54 =	vld.idx.msk [tilespmem:v0+s24+$0x10 ss:$0x1], $0xffff;
	v39 =	vmul.f32 $6.931471820e-01, v33;
	vm12 =	vgt.f32 v29, v27;
	v63 =	vpop (erf);
	v24 =	vadd.f32 $2.000000000e+00, v62  }
0x18d: {  	v19 =	vmul.f32 v63, v19;
	vm11 =	veq.f32 v21, v32;
	v20 =	vmul.f32 v20, v23  }
0x18e: {  	vm10 =	vmand vm10, vm12;
	v43 =	vmul.f32 v24, v37;
	v18 =	vnsel vm11, $0x7FFFFFFF, v18  }
0x18f: {  	vm11 =	vgt.f32 v25, $5.000000000e-01;
	vm12 =	vgt.f32 v25, v19;
	(xrf0) =	vmax.scan.msk.u32 $0xffff, v18;
	v20 =	vadd.f32 v20, v39  }
0x190: {  	vm11 =	vmand vm11, vm12;
	vm12 =	vne.s32 v42, v13;
	v47 =	vadd.f32 v43, v22  }
0x191: {  	vm8 =	vne.s32 v54, v13;
	vm11 =	vmand vm11, vm12;
	v44 =	vsub.f32 $0.0e+00, v20  }
0x192: {  	vm8 =	vmand vm10, vm8;
	vm7 =	vmand vm7, vm11;
	v21 =	vsub.f32 $0.0e+00, v47  }
0x193: {  	v48 =	vsel vm7, $0x3F800000, v4;
	v20 =	vadd.f32 v46, v28;
	v18 =	vmul.f32 v44, v36  }
0x194: {  	v45 =	vsel vm9, $0x3F800000, v4;
	vm8 =	vmand vm9, vm8;
	v22 =	vadd.f32 v48, v53  }
0x195: {  	v21 =	vmul.f32 v21, v35;
	v49, _, _ =	vpop (xrf0);
	v19 =	vadd.f32 v45, v20;
	v18 =	vnsel vm7, $0x0, v18  }
0x196: {  	v50 =	vsel vm8, $0x3F800000, v4;
	(v2sf) =	vpush v49, $0xF;
	v18 =	vadd.f32 v18, v26  }
0x197: {  	v52 =	vadd.f32 v50, v22;
	v51 =	vnsel vm8, $0x0, v21  }
0x198: {  	(xrf2) =	vadd.scan.msk.f32 $0xffff, v19;
	v18 =	vadd.f32 v51, v18  }
0x199: {  	(xrf2) =	vadd.scan.msk.f32 $0xffff, v52  }
0x19a: {  	(xrf2) =	vadd.scan.msk.f32 $0xffff, v18;
	_ =	sdelay $0x7  }
0x19b: {  	v53, _, _ =	vpop (xrf2)  }
0x19c: {  	v54, _, _ =	vpop (xrf2)  }
0x19d: {  	v55, _, _ =	vpop (xrf2)  }
0x19e: {  	v19 =	vbroadcast v54, $0xF;
	s25 =	spop (v2sf);
	v20 =	vbroadcast v55, $0xF  }
0x19f: {  	v56 =	vsel vm3, $0x1, v6;
	v18 =	vbroadcast v53, $0xF;
	s1 =	sxor.u32 $0x80000000, s25  }
0x1a0: {  	[tilespmem:v0+s23+$0x0 ss:$0x1] =	vst.idx.msk $0xffff, v56;
	v59 =	vsel vm6, $0x1, v6;
	s1 =	scvt.s32.f32 s1;
	v19 =	vsel vm1, v20, v19  }
0x1a1: {  	s2 =	sshll.u32 s22, $0x8;
	vm3 =	veq.s32 v1, $0x1;
	[tilespmem:v0+s19+$0x10 ss:$0x1] =	vst.idx.msk $0xffff, v59;
	v58 =	vsel vm5, $0x1, v6;
	v18 =	vsel vm2, v19, v18  }
0x1a2: {  	s26 =	sand.u32 $0x3FFFFF00, s2;
	[tilespmem:v0+s19+$0x0 ss:$0x1] =	vst.idx.msk $0xffff, v58;
	v57 =	vsel vm4, $0x1, v6;
	v18 =	vsel vm3, s1, v18  }
0x1a3: {  	s28 =	sadd.s32 s26, s20;
	[tilespmem:v0+s23+$0x10 ss:$0x1] =	vst.idx.msk $0xffff, v57;
	v18 =	vsel vm0, v32, v18  }
0x1a4: {  	s1 =	sadd.s32 s6, s28;
	[tilespmem:$0xF280] =	vst v18  }
0x1a5: {  	[spmem:s1] =	stream.linear.scatter [tilespmem:s7], [sflag:$0x1], $0x10, $0x38;
	[tilespmem:$0xF4A0] =	vst v63  }
0x1a6: {  	v18 =	vld.idx.msk [tilespmem:v13+s21+$0x0], $0xffff;
	_ =	sdelay $0x4  }
0x1a7: {  	vm3 =	vlt.s32 v18, $0x0  }
0x1a8: {  	v60 =	vsel vm3, $0x0, v18;
	_ =	sdelay $0x4  }
0x1a9: {  	v20 =	vld.idx.msk [tilespmem:v60+s11+$0x0], $0xffff  }
0x1aa: {  	v21 =	vld.idx.msk [tilespmem:v60+s12+$0x0], $0xffff  }
0x1ab: {  	v22 =	vld.idx.msk [tilespmem:v60+s13+$0x0], $0xffff  }
0x1ac: {  	v19 =	vld.idx.msk [tilespmem:v60+s14+$0x0], $0xffff;
	_ =	sdelay $0x4  }
0x1ad: {  	v61 =	vsub.f32 v22, v20;
	v62 =	vsub.f32 v19, v21;
	v14 =	vmin.f32 v14, v22  }
0x1ae: {  	v11 =	vmax.f32 v11, v20;
	v15 =	vmin.f32 v15, v19;
	v12 =	vmax.f32 v12, v21  }
0x1af: {  	v11 =	vsub.f32 v14, v11;
	v12 =	vsub.f32 v15, v12  }
0x1b0: {  	v14 =	vadd.f32 $1.000000000e+00, v61;
	v15 =	vadd.f32 $1.000000000e+00, v62  }
0x1b1: {  	v11 =	vadd.f32 $1.000000000e+00, v11;
	v12 =	vadd.f32 $1.000000000e+00, v12  }
0x1b2: {  	v14 =	vmul.f32 v15, v14  }
0x1b3: {  	v11 =	vmax.f32 v11, $0.0e+00;
	v12 =	vmax.f32 v12, $0.0e+00  }
0x1b4: {  	v11 =	vmul.f32 v12, v11;
	v12 =	vadd.f32 v14, v16;
	_ =	sdelay $0x1  }
0x1b5: {  	v12 =	vsub.f32 v12, v11;
	_ =	sdelay $0x1  }
0x1b6: {  	(erf) = vrcp.f32 v12;
	_ =	sdelay $0x8  }
0x1b7: {  	v12 =	vpop (erf)  }
0x1b8: {  	v11 =	vmul.f32 v12, v11;
	_ =	sdelay $0x1  }
0x1b9: {  	v11 =	vmax.f32 v11, $9.999999970e-07  }
0x1ba: {  	v12 =	vand.u32 $0x7FFFFF, v11  }
0x1bb: {  	v12 =	vor.u32 $0x3F800000, v12  }
0x1bc: {  	v14 =	vadd.f32 $1.000000000e+00, v12;
	_ =	sdelay $0x1  }
0x1bd: {  	(erf) = vrcp.f32 v14;
	_ =	sdelay $0x2  }
0x1be: {  	vm3 =	vmand vm3, vm0;
	_ =	sdelay $0x5  }
0x1bf: {  	[tilespmem:v13+s21+$0x0] =	vst.idx.msk vm3, v17;
	v14 =	vpop (erf)  }
0x1c0: {  	_ =	swait.ge [sflag:s8], $0x10  }
0x1c1: {  	[sflag:s8] =	ssyncset.done $0x0  }
0x1c2: {  	[sflag:s8] =	ssyncadd.s32 $0xFFFFFFF0  }
0x1c3: {  	[bflag:$0x0] =	sbarrier.arrive $0xFFFF  }
0x1c4: {  	[tilespmem:s9], [sflag:$0x2] =	stream.linear.gather [spmem:s28], $0x100, $0x38;
	[tilespmem:$0xF4A0] =	vst v63  }
0x1c5: {  	_ =	swait.ge [sflag:s10], $0x100  }
0x1c6: {  	[sflag:s10] =	ssyncset.done $0x0  }
0x1c7: {  	[sflag:s10] =	ssyncadd.s32 $0xFFFFFF00  }
0x1c8: {  	v13 =	vld.idx.msk [tilespmem:v2+s9+$0x0], $0xffff;
	_ =	sdelay $0x4  }
0x1c9: {  	(xrf0) =	vmax.scan.msk.f32 $0xffff, v13  }
0x1ca: {  	v15 =	vld.idx.msk [tilespmem:v3+s9+$0x0], $0xffff;
	_ =	sdelay $0x4  }
0x1cb: {  	v15 =	vtrunc.f32 v15;
	v16, _, _ =	vpop (xrf0)  }
0x1cc: {  	v15 =	vcvt.f32.s32 v15;
	v17 =	vbroadcast v16, $0xF  }
0x1cd: {  	v63 =	vor.u32 $0x2, v2  }
0x1ce: {  	vm3 =	veq.f32 v13, v17;
	v13 =	vxor.u32 $0x80000000, v15  }
0x1cf: {  	v13 =	vnsel vm3, $0x7FFFFFFF, v13  }
0x1d0: {  	v15 =	vor.u32 $0x3, v2;
	(xrf0) =	vmax.scan.msk.u32 $0xffff, v13;
	_ =	sdelay $0x1  }
0x1d1: {  	v13 =	vld.idx.msk [tilespmem:v63+s9+$0x0], $0xffff;
	_ =	sdelay $0x2  }
0x1d2: {  	v15 =	vld.idx.msk [tilespmem:v15+s9+$0x0], $0xffff  }
0x1d3: {  	(v2sf) =	vpush v16, $0xF;
	v16, _, _ =	vpop (xrf0)  }
0x1d4: {  	(xrf2) =	vadd.scan.msk.f32 $0xffff, v13;
	(v2sf) =	vpush v16, $0xF  }
0x1d5: {  	v12 =	vadd.f32 $-1.000000000e+00, v12;
	_ =	sdelay $0x1  }
0x1d6: {  	v12 =	vmul.f32 v14, v12;
	v13 =	vor.u32 $0x4, v2;
	(xrf2) =	vadd.scan.msk.f32 $0xffff, v15;
	_ =	sdelay $0x1  }
0x1d7: {  	v14 =	vmul.f32 v12, v12;
	_ =	sdelay $0x1  }
0x1d8: {  	v15 =	vmul.f32 $2.857142980e-01, v14  }
0x1d9: {  	v13 =	vld.idx.msk [tilespmem:v13+s9+$0x0], $0xffff  }
0x1da: {  	v15 =	vadd.f32 $4.000000060e-01, v15  }
0x1db: {  	v16, _, _ =	vpop (xrf2)  }
0x1dc: {  	v15 =	vmul.f32 v15, v14;
	(v2sf) =	vpush v16, $0xF;
	_ =	sdelay $0x1  }
0x1dd: {  	v15 =	vadd.f32 $6.666666860e-01, v15;
	(xrf2) =	vadd.scan.msk.f32 $0xffff, v13;
	v16, _, _ =	vpop (xrf2)  }
0x1de: {  	s29 =	spop (v2sf);
	v13 =	vbroadcast v16, $0xF  }
0x1df: {  	v14 =	vmul.f32 v15, v14;
	s30 =	spop (v2sf)  }
0x1e0: {  	v11 =	vshrl.u32 v11, $0x17;
	(erf) = vrcp.f32 v13;
	s0 =	sxor.u32 $0x80000000, s30  }
0x1e1: {  	v11 =	vadd.s32 $0xFFFFFF81, v11;
	v14 =	vadd.f32 $2.000000000e+00, v14;
	p0 =	sgt.s32 s0, $0x0  }
0x1e2: {  	v11 =	vcvt.s32.f32 v11;
	s0 =	simm.s32 @!p0 $0x0  }
0x1e3: {  	v12 =	vmul.f32 v14, v12;
	v14 =	vmov s0  }
0x1e4: {  	v11 =	vmul.f32 $6.931471820e-01, v11;
	v16 =	vbroadcast v14, $0x0;
	_ =	sdelay $0x1  }
0x1e5: {  	v11 =	vadd.f32 v12, v11  }
0x1e6: {  	v12, _, _ =	vpop (xrf2)  }
0x1e7: {  	v11 =	vsub.f32 $0.0e+00, v11;
	v12 =	vbroadcast v12, $0xF  }
0x1e8: {  	v14 =	vpop (erf)  }
0x1e9: {  	p0 =	sgt.f32 s29, $-5.000000080e+29;
	v10 =	vmul.f32 v11, v10;
	s31 =	spop (v2sf);
	v14 =	vmul.f32 v14, v12;
	v11 =	vld.idx.msk [tilespmem:v16+s11+$0x0], $0xffff  }
.Ltmp4:
0x1ea: {  	vm3 =	vgt.s32 v18, $0xFFFFFFFF;
	vm15 =	vgt.f32 v13, $0.0e+00;
	p6 =	sgt.f32 s31, $0.0e+00;
	v12 =	vld.idx.msk [tilespmem:v16+s12+$0x0], $0xffff;
	(pc) =	sbr.rel @p0 .LBB2_6-.Ltmp4, $4  }
0x1eb: {  	v10 =	vnsel vm3, $0x0, v10;
	v15 =	vnsel vm15, $0x0, v14;
	v14 =	vld.idx.msk [tilespmem:v16+s13+$0x0], $0xffff  }
0x1ec: {  	v10 =	vpsel !p6, $0x0, v10;
	v17 =	vpsel !p6, $0x0, v15;
	v13 =	vpsel !p6, $0x0, v13;
	v15 =	vld.idx.msk [tilespmem:v16+s14+$0x0], $0xffff  }
0x1ed: {  	v7 =	vadd.f32 v10, v7;
	v5 =	vadd.f32 v17, v5;
	v17 =	vsel vm3, $0x3F800000, v4;
	v10 =	vld.idx.msk [tilespmem:v16+s15+$0x0], $0xffff  }
0x1ee: {  	s22 =	sxor.u32 $0x1, s22;
	s25 =	smov.u32 s20;
	v8 =	vadd.f32 v13, v8;
	v13 =	vld.idx.msk [tilespmem:v16+s16+$0x0], $0xffff;
	v9 =	vadd.f32 v17, v9  }
.Ltmp5:
0x1ef: {  	(pc) =	sbr.rel .LBB2_10-.Ltmp5, $3  }
0x1f0: {  	_ =	sdelay $0x1  }
0x1f1: {  	s23 =	rddreg [dreg:$0x4]  }
0x1f2: {  	s24 =	stileid.u32;
	s26 =	rddreg [dreg:$0x5];
	v0 =	vadd.f32 $9.999999970e-07, v9;
	v1 =	vadd.f32 $9.999999970e-07, v8  }
.LBB2_4:
0x1f3: {  	v0 =	vimm.f32 $9.999999970e-07  }
0x1f4: {  	v7 =	vimm.f32 $0.0e+00;
	v5 =	vimm.f32 $0.0e+00;
	v1 =	vimm.f32 $9.999999970e-07  }
.LBB2_10:
0x1f5: {  	p0 =	sne.s32 s24, $0x0  }
0x1f6: {  	(erf) = vrcp.f32 @!p0 v0  }
0x1f7: {  	(erf) = vrcp.f32 @!p0 v1;
	_ =	sdelay $0x7  }
0x1f8: {  	v0 =	vpop @!p0 (erf)  }
0x1f9: {  	v0 =	vmul.f32 @!p0 v0, v7;
	v1 =	vpop @!p0 (erf)  }
0x1fa: {  	vm0 =	vcmask @!p0 $0x3F08;
	v1 =	vmul.f32 @!p0 v1, v5  }
0x1fb: {  	v0 =	vsel @!p0 vm0, $0x0, v0;
	vm0 =	vmmov @!p0 $0x1  }
0x1fc: {  	v0 =	vsel @!p0 vm0, v1, v0  }
0x1fd: {  	s0 =	simm.s32 @!p0 $0x0;
	s1 =	simm.s32 @!p0 $0xF400;
	[tilespmem:$0xF400] =	vst @!p0 v0  }
0x1fe: {  	[hbm4b:s26+s0] =	stream.linear.scatter @!p0 [tilespmem:s1], [sflag:$0x2], $0x80, $0x38;
	[tilespmem:$0xF4A0] =	vst v63  }
0x1ff: {  	s0 =	simm.s32 @!p0 $0x2  }
0x200: {  	_ =	swait.ge @!p0 [sflag:s0], $0x80  }
0x201: {  	[sflag:s0] =	ssyncset.done @!p0 $0x0  }
0x202: {  	[sflag:s0] =	ssyncadd.s32 @!p0 $0xFFFFFF80  }
.LBB2_11:
0x203: {  	_ =	sfence.sel $0x180000  }
0x204: {  	[bflag:$0x0] =	sbarrier.arrive $0xFFFF  }
0x205: {  	p0 =	sne.s32 s24, $0x0;
	_ =	strace $0x90000047  }
0x206: {  	s0 =	sadd.s32 @!p0 $0x100000, s23;
	[bflag:$0x2] =	sbarrier.arrive $0xFFFF  }
0x207: {  	[sflag:s0] =	ssyncadd.tile.s32 @!p0 $0x1;
	_ =	shalt  }
.Lfunc_end2:
_tile_overlayer_lowered:
.L_overlay_start_2:
0x208: {  	(tag) =	ssettag $0x2  }
0x209: {  	s0 =	rddreg [dreg:$0x0];
	s2 =	stileid.u32  }
0x20a: {  	s1 =	rddreg [dreg:$0x1];
	p0 =	sne.s32 s2, $0x0  }
0x20b: {  	s3 =	rddreg [dreg:$0x2];
	[bflag:$0x3] =	sbarrier.arrive $0xFFFF;
	s2 =	simm.s32 @!p0 $0x1C02  }
0x20c: {  	[timem:s3], [sflag:s2] =	dma.local @!p0 [hbm:s0], s1  }
0x20d: {  	s0 =	simm.s32 @!p0 $0x2  }
0x20e: {  	_ =	swait.ge @!p0 [sflag:s0], s1  }
0x20f: {  	s1 =	ssub.s32 @!p0 $0x0, s1;
	[sflag:s0] =	ssyncset.done @!p0 $0x0  }
0x210: {  	[sflag:s0] =	ssyncadd.s32 @!p0 s1  }
0x211: {  	[bflag:$0x3] =	sbarrier.arrive $0xFFFF  }
0x212: {  	_ =	shalt  }

</sc_bundles>
